<compile_context>
chip_gen: v7x
topology: tpu7x:2x2x1
jax: 0.10.2.dev20260603
libtpu: 0.0.44.dev20260713+nightly
codegen_flags: <defaults>
</compile_context>

<pallas_src>
import functools

import jax
import jax.numpy as jnp
from jax import lax
from jax.experimental import pallas as pl
from jax.experimental.pallas import tpu as pltpu
from jax.experimental.pallas import tpu_sc as plsc

BATCH = 8
NUM_NODES = 256
STMT_LEN = 4
HIDDEN = 64
FEAT = 4 * HIDDEN
OUT_VOCAB = 1000


def _sig(x):
    return 0.5 * jnp.tanh(0.5 * x) + 0.5


def _sc_gather(table, flat_idx):
    info = plsc.get_sparse_core_info()
    nc, ns = info.num_cores, info.num_subcores
    nw = nc * ns
    n_rows = flat_idx.shape[0]
    b_per_w = n_rows // nw
    d = table.shape[1]

    @functools.partial(
        pl.kernel,
        mesh=plsc.VectorSubcoreMesh(core_axis_name="c", subcore_axis_name="s"),
        out_type=jax.ShapeDtypeStruct((n_rows, d), jnp.float32),
        scratch_types=[
            pltpu.VMEM((b_per_w,), jnp.int32),
            pltpu.VMEM((b_per_w, d), jnp.float32),
            pltpu.SemaphoreType.DMA,
        ],
    )
    def gather_kernel(table_hbm, idx_hbm, out_hbm, idx_v, rows_v, sem):
        wid = lax.axis_index("s") * nc + lax.axis_index("c")
        base = wid * b_per_w
        pltpu.sync_copy(idx_hbm.at[pl.ds(base, b_per_w)], idx_v)
        pltpu.async_copy(table_hbm.at[idx_v], rows_v, sem).wait()
        pltpu.sync_copy(rows_v, out_hbm.at[pl.ds(base, b_per_w)])

    return gather_kernel(table, flat_idx)


def _tc_body(exit_ref, steps_ref, emb_ref, par_ref, tb_ref, fb_ref, wi_ref,
             wh_ref, bias_ref, bwd_ref, bbd_ref, ow_ref, ob_ref, out_ref):
    b = pl.program_id(0)
    exit_idx = exit_ref[b, 0]
    nsteps = steps_ref[b, 0]

    xs = []
    for t in range(STMT_LEN):
        e = emb_ref[0, t]
        par = par_ref[0, t]
        xs.append(jnp.where(par == 1, e[:, HIDDEN:2 * HIDDEN], e[:, 0:HIDDEN]))

    row_ids = lax.broadcasted_iota(jnp.int32, (NUM_NODES, 1), 0)
    col_ids = lax.broadcasted_iota(jnp.int32, (NUM_NODES, NUM_NODES), 1)
    tb = tb_ref[0]
    fb = fb_ref[0]
    t_hot = (tb == col_ids).astype(jnp.float32)
    f_hot = (fb == col_ids).astype(jnp.float32)
    is_exit = row_ids == exit_idx

    ip0 = (row_ids == 0).astype(jnp.float32)
    h_init = jnp.zeros((NUM_NODES, FEAT), jnp.float32)

    pre0 = [jnp.dot(xs[t], wi_ref[0], preferred_element_type=jnp.float32)
            + bias_ref[0:1, :] for t in range(STMT_LEN)]
    w1cat = jnp.concatenate([wi_ref[1], wh_ref[1]], axis=0)

    def step(_, carry):
        H, ip = carry
        c0 = H[:, 0:64]
        h0 = H[:, 64:128]
        c1 = H[:, 128:192]
        h1 = H[:, 192:256]
        for t in range(STMT_LEN):
            g0 = pre0[t] + jnp.dot(h0, wh_ref[0],
                                   preferred_element_type=jnp.float32)
            c0 = (_sig(g0[:, 64:128]) * c0
                  + _sig(g0[:, 0:64]) * jnp.tanh(g0[:, 128:192]))
            h0 = _sig(g0[:, 192:256]) * jnp.tanh(c0)
            g1 = (jnp.dot(jnp.concatenate([h0, h1], axis=1), w1cat,
                          preferred_element_type=jnp.float32)
                  + bias_ref[1:2, :])
            c1 = (_sig(g1[:, 64:128]) * c1
                  + _sig(g1[:, 0:64]) * jnp.tanh(g1[:, 128:192]))
            h1 = _sig(g1[:, 192:256]) * jnp.tanh(c1)
        Hc = jnp.concatenate([c0, h0, c1, h1], axis=1)
        Hc = jnp.where(is_exit, H, Hc)

        d = jnp.dot(Hc, bwd_ref[...], preferred_element_type=jnp.float32)
        p_t = _sig(d + bbd_ref[0:1, :])
        p_f = 1.0 - p_t

        Bm = p_t * t_hot + p_f * f_hot
        contract = (((0,), (0,)), ((), ()))
        num = lax.dot_general(Bm, Hc * ip, contract,
                              preferred_element_type=jnp.float32)
        ip_new = lax.dot_general(Bm, ip, contract,
                                 preferred_element_type=jnp.float32)
        H_new = num / (ip_new + 1e-7)
        return H_new, ip_new

    H, _ = lax.fori_loop(0, nsteps, step, (h_init, ip0))

    final_row = jnp.sum(jnp.where(is_exit, H, 0.0), axis=0, keepdims=True)
    logits = (jnp.dot(final_row, ow_ref[...], preferred_element_type=jnp.float32)
              + ob_ref[...])
    out_ref[0] = logits


def _run_tc(node_emb, parity, tb, fb, exit_index, steps, lstm_Wi, lstm_Wh,
            lstm_b, branch_W, branch_b, out_W, out_b):
    bwd = (branch_W[:, 0] - branch_W[:, 1]).reshape(NUM_NODES, 1)
    bbd = (branch_b[0] - branch_b[1]).reshape(1, 1)
    ob = out_b.reshape(1, OUT_VOCAB)
    exit_2d = exit_index.reshape(BATCH, 1).astype(jnp.int32)
    steps_2d = steps.reshape(BATCH, 1).astype(jnp.int32)
    tb3 = tb.reshape(BATCH, NUM_NODES, 1)
    fb3 = fb.reshape(BATCH, NUM_NODES, 1)

    grid_spec = pltpu.PrefetchScalarGridSpec(
        num_scalar_prefetch=2,
        grid=(BATCH,),
        in_specs=[
            pl.BlockSpec((1, STMT_LEN, NUM_NODES, 2 * HIDDEN),
                         lambda b, *_: (b, 0, 0, 0)),
            pl.BlockSpec((1, STMT_LEN, NUM_NODES, 1),
                         lambda b, *_: (b, 0, 0, 0)),
            pl.BlockSpec((1, NUM_NODES, 1), lambda b, *_: (b, 0, 0)),
            pl.BlockSpec((1, NUM_NODES, 1), lambda b, *_: (b, 0, 0)),
            pl.BlockSpec((2, HIDDEN, 4 * HIDDEN), lambda b, *_: (0, 0, 0)),
            pl.BlockSpec((2, HIDDEN, 4 * HIDDEN), lambda b, *_: (0, 0, 0)),
            pl.BlockSpec((2, 4 * HIDDEN), lambda b, *_: (0, 0)),
            pl.BlockSpec((NUM_NODES, 1), lambda b, *_: (0, 0)),
            pl.BlockSpec((1, 1), lambda b, *_: (0, 0)),
            pl.BlockSpec((FEAT, OUT_VOCAB), lambda b, *_: (0, 0)),
            pl.BlockSpec((1, OUT_VOCAB), lambda b, *_: (0, 0)),
        ],
        out_specs=pl.BlockSpec((1, 1, OUT_VOCAB), lambda b, *_: (b, 0, 0)),
    )
    return pl.pallas_call(
        _tc_body,
        grid_spec=grid_spec,
        out_shape=jax.ShapeDtypeStruct((BATCH, 1, OUT_VOCAB), jnp.float32),
        compiler_params=pltpu.CompilerParams(
            dimension_semantics=("parallel",)),
    )(exit_2d, steps_2d, node_emb, parity, tb3, fb3, lstm_Wi, lstm_Wh,
      lstm_b, bwd, bbd, out_W, ob)


def kernel(data, true_branch_nodes, false_branch_nodes, start_index,
           exit_index, steps, embed_table, lstm_Wi, lstm_Wh, lstm_b,
           branch_W, branch_b, out_W, out_b):
    flat_idx = data.transpose(0, 2, 1).reshape(-1)
    table2 = embed_table.reshape(-1, 2 * HIDDEN)
    rows = _sc_gather(table2, flat_idx >> 1)
    node_emb = rows.reshape(BATCH, STMT_LEN, NUM_NODES, 2 * HIDDEN)
    parity = (flat_idx & 1).reshape(BATCH, STMT_LEN, NUM_NODES, 1)
    return _run_tc(node_emb, parity, true_branch_nodes, false_branch_nodes,
                   exit_index, steps, lstm_Wi, lstm_Wh, lstm_b,
                   branch_W, branch_b, out_W, out_b)

# --- scband reference (transcript-rebuilt; emitter-appended) ---
"""Pipeline reference for scband-ipagnn-88012469830544 (READ-ONLY COPY).

The authoritative reference and input builder live on the scoring server;
editing this copy changes nothing except your own understanding.
"""

import jax
import jax.numpy as jnp
import numpy as np

BATCH = 8
NUM_NODES = 256
STMT_LEN = 4
VOCAB = 100000
OUT_VOCAB = 1000
HIDDEN = 64
LAYERS = 2
MAX_STEPS = 12
MAXVAL = 0.1


def setup_inputs():
    key = jax.random.PRNGKey(0)
    ks = jax.random.split(key, 16)

    def xavier(k, shape):
        scale = float(np.sqrt(2.0 / (shape[-2] + shape[-1])))
        return scale * jax.random.normal(k, shape, dtype=jnp.float32)

    inp = {}
    inp['data'] = jax.random.randint(ks[0], (BATCH, NUM_NODES, STMT_LEN), 0, VOCAB, dtype=jnp.int32)
    inp['true_branch_nodes'] = jax.random.randint(ks[1], (BATCH, NUM_NODES), 0, NUM_NODES, dtype=jnp.int32)
    inp['false_branch_nodes'] = jax.random.randint(ks[2], (BATCH, NUM_NODES), 0, NUM_NODES, dtype=jnp.int32)
    inp['start_index'] = jax.random.randint(ks[3], (BATCH,), 0, NUM_NODES, dtype=jnp.int32)
    inp['exit_index'] = jax.random.randint(ks[4], (BATCH,), 0, NUM_NODES, dtype=jnp.int32)
    inp['steps'] = jax.random.randint(ks[5], (BATCH,), 0, MAX_STEPS, dtype=jnp.int32)
    inp['embed_table'] = jax.random.uniform(ks[6], (VOCAB, HIDDEN), jnp.float32, -MAXVAL, MAXVAL)
    inp['lstm_Wi'] = xavier(ks[7], (LAYERS, HIDDEN, 4 * HIDDEN))
    inp['lstm_Wh'] = xavier(ks[8], (LAYERS, HIDDEN, 4 * HIDDEN))
    inp['lstm_b'] = jnp.zeros((LAYERS, 4 * HIDDEN), dtype=jnp.float32)
    inp['branch_W'] = xavier(ks[9], (2 * LAYERS * HIDDEN, 2))
    inp['branch_b'] = 1e-6 * jax.random.normal(ks[10], (2,), dtype=jnp.float32)
    inp['out_W'] = xavier(ks[11], (2 * LAYERS * HIDDEN, OUT_VOCAB))
    inp['out_b'] = 1e-6 * jax.random.normal(ks[12], (OUT_VOCAB,), dtype=jnp.float32)
    return inp


def _forward(data, true_branch_nodes, false_branch_nodes, start_index, exit_index, steps,
             embed_table, lstm_Wi, lstm_Wh, lstm_b, branch_W, branch_b, out_W, out_b):
    batch_size, num_nodes, _ = data.shape
    hidden = embed_table.shape[1]
    layers = lstm_Wi.shape[0]

    def lstm_cell(Wi, Wh, b, carry, x):
        c, h = carry
        gates = x @ Wi + h @ Wh + b
        i, f, g, o = jnp.split(gates, 4, axis=-1)
        c_new = jax.nn.sigmoid(f) * c + jax.nn.sigmoid(i) * jnp.tanh(g)
        h_new = jax.nn.sigmoid(o) * jnp.tanh(c_new)
        return (c_new, h_new), h_new

    def stacked_lstm(carry, x):
        new_carry = []
        inp = x
        for l in range(layers):
            (c2, h2), out = lstm_cell(lstm_Wi[l], lstm_Wh[l], lstm_b[l], carry[l], inp)
            new_carry.append((c2, h2))
            inp = out
        return tuple(new_carry), inp

    hidden_states0 = tuple((jnp.zeros((batch_size, num_nodes, hidden), jnp.float32),
                            jnp.zeros((batch_size, num_nodes, hidden), jnp.float32)) for _ in range(layers))
    instruction_pointer0 = jnp.zeros((batch_size, num_nodes), jnp.float32).at[:, 0].add(1.0)
    node_embeddings = jnp.take(embed_table, data, axis=0)

    def execute_single_node(hidden_state, node_embedding):
        carry, _ = jax.lax.scan(stacked_lstm, hidden_state, node_embedding)
        return carry

    execute = jax.vmap(execute_single_node)

    def branch_decide_single_node(hidden_state):
        hs = jnp.concatenate(jax.tree_util.tree_leaves(hidden_state), axis=0)
        return hs @ branch_W + branch_b

    branch_decide = jax.vmap(branch_decide_single_node)

    def update_instruction_pointer(ip, branch_decisions, true_indexes, false_indexes):
        p_true = branch_decisions[:, 0]
        p_false = branch_decisions[:, 1]
        t = jax.ops.segment_sum(p_true * ip, true_indexes, num_segments=num_nodes)
        f = jax.ops.segment_sum(p_false * ip, false_indexes, num_segments=num_nodes)
        return t + f

    def aggregate(hidden_states, ip, branch_decisions, true_indexes, false_indexes):
        p_true = branch_decisions[:, 0]
        p_false = branch_decisions[:, 1]
        denominators = update_instruction_pointer(ip, branch_decisions, true_indexes, false_indexes) + 1e-07

        def aggregate_component(h):
            t = jax.ops.segment_sum(h * p_true * ip, true_indexes, num_segments=num_nodes)
            f = jax.ops.segment_sum(h * p_false * ip, false_indexes, num_segments=num_nodes)
            return (t + f) / denominators

        agg = jax.vmap(aggregate_component, in_axes=1, out_axes=1)
        return jax.tree_util.tree_map(agg, hidden_states)

    def step_single_example(hidden_states, ip, node_emb, true_indexes, false_indexes, exit_idx):
        contributions = execute(hidden_states, node_emb)

        def mask_h(h_contribution, h):
            return h_contribution.at[exit_idx, :].set(h[exit_idx, :])

        contributions = jax.tree_util.tree_map(mask_h, contributions, hidden_states)
        branch_decisions = jax.nn.softmax(branch_decide(contributions), axis=-1)
        ip_new = update_instruction_pointer(ip, branch_decisions, true_indexes, false_indexes)
        hs_new = aggregate(contributions, ip, branch_decisions, true_indexes, false_indexes)
        return hs_new, ip_new

    def compute_logits_single_example(hidden_states, ip, exit_idx, steps_i, node_emb, true_indexes, false_indexes):
        def step_(carry, _):
            hs, ip_c, index = carry
            hs_new, ip_new = step_single_example(hs, ip_c, node_emb, true_indexes, false_indexes, exit_idx)
            carry = jax.tree_util.tree_map(
                lambda new, old: jnp.where(index < steps_i, new, old),
                (hs_new, ip_new, index + 1), (hs, ip_c, index + 1))
            return carry, None

        carry = (hidden_states, ip, jnp.array([0]))
        (hs, ip_f, _), _ = jax.lax.scan(step_, carry, None, length=MAX_STEPS)
        final_state = jax.tree_util.tree_map(lambda h: h[exit_idx], hs)
        final_concat = jnp.concatenate(jax.tree_util.tree_leaves(final_state), axis=0)
        return final_concat @ out_W + out_b

    compute_logits = jax.vmap(compute_logits_single_example, in_axes=(0, 0, 0, 0, 0, 0, 0))
    logits = compute_logits(hidden_states0, instruction_pointer0, exit_index, steps, node_embeddings,
                            true_branch_nodes, false_branch_nodes)
    return jnp.expand_dims(logits, axis=1)


def reference(data, true_branch_nodes, false_branch_nodes, start_index, exit_index, steps,
              embed_table, lstm_Wi, lstm_Wh, lstm_b, branch_W, branch_b, out_W, out_b):
    return _forward(data, true_branch_nodes, false_branch_nodes, start_index, exit_index, steps,
                    embed_table, lstm_Wi, lstm_Wh, lstm_b, branch_W, branch_b, out_W, out_b)

if __name__ == "__main__":
    import jax
    _d = setup_inputs()
    print(jax.jit(kernel)(*tuple(_d.values())))

</pallas_src>

<mosaic_0001>
#map = affine_map<(d0, d1) -> (0, 0)>
#map1 = affine_map<(d0, d1) -> (0)>
module attributes {stable_mosaic.version = 14 : i64} {
  func.func @gather_kernel(%arg0: i32, %arg1: i32, %arg2: memref<50000x128xf32, #tpu.memory_space<hbm>>, %arg3: memref<8192xi32, #tpu.memory_space<hbm>>, %arg4: memref<8192x128xf32, #tpu.memory_space<hbm>>, %arg5: memref<256xi32, #tpu.memory_space<vmem>>, %arg6: memref<256x128xf32, #tpu.memory_space<vmem>>, %arg7: memref<!tpu.dma_semaphore, #tpu.memory_space<semaphore_mem>>) attributes {dimension_semantics = [#tpu.dimension_semantics<core_parallel>, #tpu.dimension_semantics<subcore_parallel>], iteration_bounds = array<i64: 2, 16>, scalar_prefetch = 0 : i64, scratch_operands = 3 : i64, tpu.core_type = #tpu.core_type<sc_vector_subcore>, window_params = [{transform_indices = #map}, {transform_indices = #map1}, {transform_indices = #map}]} {
    %mul3A = arith.constant 2 : i32
    %mul3A_0 = arith.muli %arg1, %mul3A : i32
    %add3A = arith.addi %mul3A_0, %arg0 : i32
    %mul3A_1 = arith.constant 256 : i32
    %mul3A_2 = arith.muli %add3A, %mul3A_1 : i32
    "tpu.region"() ({
      %run_scoped3A = tpu.sem_alloc : memref<!tpu.dma_semaphore, #tpu.memory_space<semaphore_mem>>
      %dma_start3A_7 = tpu.memref_slice %arg3[%mul3A_2] : memref<8192xi32, #tpu.memory_space<hbm>> -> memref<256xi32, #tpu.memory_space<hbm>>
      %dma_start3A_8 = tpu.memref_slice %arg3[%mul3A_2] : memref<8192xi32, #tpu.memory_space<hbm>> -> memref<256xi32, #tpu.memory_space<hbm>>
      tpu.enqueue_dma source(%dma_start3A_8 : memref<256xi32, #tpu.memory_space<hbm>>) target(%arg5 : memref<256xi32, #tpu.memory_space<vmem>>) target_semaphore(%run_scoped3A : memref<!tpu.dma_semaphore, #tpu.memory_space<semaphore_mem>>)
      %dma_wait3A_9 = tpu.memref_slice %arg3[%mul3A_2] : memref<8192xi32, #tpu.memory_space<hbm>> -> memref<256xi32, #tpu.memory_space<hbm>>
      %dma_wait3A_10 = tpu.memref_slice %arg3[%mul3A_2] : memref<8192xi32, #tpu.memory_space<hbm>> -> memref<256xi32, #tpu.memory_space<hbm>>
      tpu.wait_dma2 semaphore(%run_scoped3A : memref<!tpu.dma_semaphore, #tpu.memory_space<semaphore_mem>>) src(%dma_wait3A_10 : memref<256xi32, #tpu.memory_space<hbm>>) dst(%arg5 : memref<256xi32, #tpu.memory_space<vmem>>)
      tpu.yield
    }) : () -> ()
    %dma_start3A = arith.constant 0 : i32
    %dma_start3A_3 = arith.constant 0 : i32
    %dma_start3A_4 = tpu.memref_slice %arg2[%dma_start3A, %dma_start3A_3] : memref<50000x128xf32, #tpu.memory_space<hbm>> -> memref<50000x128xf32, #tpu.memory_space<hbm>>
    tpu.enqueue_indirect_dma source(%dma_start3A_4 : memref<50000x128xf32, #tpu.memory_space<hbm>>) target(%arg6 : memref<256x128xf32, #tpu.memory_space<vmem>>) offsets(%arg5 : memref<256xi32, #tpu.memory_space<vmem>>) semaphore(%arg7 : memref<!tpu.dma_semaphore, #tpu.memory_space<semaphore_mem>>)
    %dma_wait3A = arith.constant 0 : i32
    %dma_wait3A_5 = arith.constant 0 : i32
    %dma_wait3A_6 = tpu.memref_slice %arg2[%dma_wait3A, %dma_wait3A_5] : memref<50000x128xf32, #tpu.memory_space<hbm>> -> memref<50000x128xf32, #tpu.memory_space<hbm>>
    tpu.wait_indirect_dma semaphore(%arg7 : memref<!tpu.dma_semaphore, #tpu.memory_space<semaphore_mem>>) src(%dma_wait3A_6 : memref<50000x128xf32, #tpu.memory_space<hbm>>) dst(%arg6 : memref<256x128xf32, #tpu.memory_space<vmem>>)
    "tpu.region"() ({
      %run_scoped3A = tpu.sem_alloc : memref<!tpu.dma_semaphore, #tpu.memory_space<semaphore_mem>>
      %dma_start3A_7 = arith.constant 0 : i32
      %dma_start3A_8 = tpu.memref_slice %arg4[%mul3A_2, %dma_start3A_7] : memref<8192x128xf32, #tpu.memory_space<hbm>> -> memref<256x128xf32, #tpu.memory_space<hbm>>
      %dma_start3A_9 = arith.constant 0 : i32
      %dma_start3A_10 = tpu.memref_slice %arg4[%mul3A_2, %dma_start3A_9] : memref<8192x128xf32, #tpu.memory_space<hbm>> -> memref<256x128xf32, #tpu.memory_space<hbm>>
      tpu.enqueue_dma source(%arg6 : memref<256x128xf32, #tpu.memory_space<vmem>>) target(%dma_start3A_10 : memref<256x128xf32, #tpu.memory_space<hbm>>) target_semaphore(%run_scoped3A : memref<!tpu.dma_semaphore, #tpu.memory_space<semaphore_mem>>)
      %dma_wait3A_11 = arith.constant 0 : i32
      %dma_wait3A_12 = tpu.memref_slice %arg4[%mul3A_2, %dma_wait3A_11] : memref<8192x128xf32, #tpu.memory_space<hbm>> -> memref<256x128xf32, #tpu.memory_space<hbm>>
      %dma_wait3A_13 = arith.constant 0 : i32
      %dma_wait3A_14 = tpu.memref_slice %arg4[%mul3A_2, %dma_wait3A_13] : memref<8192x128xf32, #tpu.memory_space<hbm>> -> memref<256x128xf32, #tpu.memory_space<hbm>>
      tpu.wait_dma2 semaphore(%run_scoped3A : memref<!tpu.dma_semaphore, #tpu.memory_space<semaphore_mem>>) src(%arg6 : memref<256x128xf32, #tpu.memory_space<vmem>>) dst(%dma_wait3A_14 : memref<256x128xf32, #tpu.memory_space<hbm>>)
      tpu.yield
    }) : () -> ()
    return
  }
}

module attributes {stable_mosaic.version = 14 : i64} {
  func.func @_tc_body(%arg0: i32, %arg1: memref<8x1xi32, #tpu.memory_space<smem>>, %arg2: memref<8x1xi32, #tpu.memory_space<smem>>, %arg3: memref<1x4x256x128xf32, #tpu.memory_space<vmem>>, %arg4: memref<1x4x256x1xi32, #tpu.memory_space<vmem>>, %arg5: memref<1x256x1xi32, #tpu.memory_space<vmem>>, %arg6: memref<1x256x1xi32, #tpu.memory_space<vmem>>, %arg7: memref<2x64x256xf32, #tpu.memory_space<vmem>>, %arg8: memref<2x64x256xf32, #tpu.memory_space<vmem>>, %arg9: memref<2x256xf32, #tpu.memory_space<vmem>>, %arg10: memref<256x1xf32, #tpu.memory_space<vmem>>, %arg11: memref<1x1xf32, #tpu.memory_space<vmem>>, %arg12: memref<256x1000xf32, #tpu.memory_space<vmem>>, %arg13: memref<1x1000xf32, #tpu.memory_space<vmem>>, %arg14: memref<1x1x1000xf32, #tpu.memory_space<vmem>>) attributes {dimension_semantics = [#tpu.dimension_semantics<parallel>], iteration_bounds = array<i64: 8>, scalar_prefetch = 2 : i64, scratch_operands = 0 : i64, tpu.core_type = #tpu.core_type<tc>, window_params = [{transform_indices = @transform_0, window_bounds = array<i64: 1, 4, 256, 128>}, {transform_indices = @transform_1, window_bounds = array<i64: 1, 4, 256, 1>}, {transform_indices = @transform_2, window_bounds = array<i64: 1, 256, 1>}, {transform_indices = @transform_3, window_bounds = array<i64: 1, 256, 1>}, {pipeline_mode = #tpu.pipeline_mode<synchronous>, transform_indices = @transform_4, window_bounds = array<i64: 2, 64, 256>}, {pipeline_mode = #tpu.pipeline_mode<synchronous>, transform_indices = @transform_5, window_bounds = array<i64: 2, 64, 256>}, {pipeline_mode = #tpu.pipeline_mode<synchronous>, transform_indices = @transform_6, window_bounds = array<i64: 2, 256>}, {pipeline_mode = #tpu.pipeline_mode<synchronous>, transform_indices = @transform_7, window_bounds = array<i64: 256, 1>}, {pipeline_mode = #tpu.pipeline_mode<synchronous>, transform_indices = @transform_8, window_bounds = array<i64: 1, 1>}, {pipeline_mode = #tpu.pipeline_mode<synchronous>, transform_indices = @transform_9, window_bounds = array<i64: 256, 1000>}, {pipeline_mode = #tpu.pipeline_mode<synchronous>, transform_indices = @transform_10, window_bounds = array<i64: 1, 1000>}, {transform_indices = @transform_11, window_bounds = array<i64: 1, 1, 1000>}]} {
    %get3A = arith.index_cast %arg0 : i32 to index
    %get3A_0 = arith.constant 0 : index
    %get3A_1 = memref.load %arg1[%get3A, %get3A_0] : memref<8x1xi32, #tpu.memory_space<smem>>
    %get3A_2 = arith.index_cast %arg0 : i32 to index
    %get3A_3 = arith.constant 0 : index
    %get3A_4 = memref.load %arg2[%get3A_2, %get3A_3] : memref<8x1xi32, #tpu.memory_space<smem>>
    %get3A_5 = arith.constant 0 : index
    %get3A_6 = arith.constant 0 : index
    %get3A_7 = arith.constant 0 : index
    %get3A_8 = arith.constant 0 : index
    %get3A_9 = vector.load %arg3[%get3A_5, %get3A_6, %get3A_7, %get3A_8] : memref<1x4x256x128xf32, #tpu.memory_space<vmem>>, vector<1x1x256x128xf32>
    %get3A_10 = vector.shape_cast %get3A_9 : vector<1x1x256x128xf32> to vector<256x128xf32>
    %get3A_11 = arith.constant 0 : index
    %get3A_12 = arith.constant 0 : index
    %get3A_13 = arith.constant 0 : index
    %get3A_14 = arith.constant 0 : index
    %get3A_15 = vector.load %arg4[%get3A_11, %get3A_12, %get3A_13, %get3A_14] : memref<1x4x256x1xi32, #tpu.memory_space<vmem>>, vector<1x1x256x1xi32>
    %get3A_16 = vector.shape_cast %get3A_15 : vector<1x1x256x1xi32> to vector<256x1xi32>
    %eq3A = arith.constant 1 : i32
    %eq3A_17 = vector.broadcast %eq3A : i32 to vector<256x1xi32>
    %eq3A_18 = arith.cmpi eq, %get3A_16, %eq3A_17 : vector<256x1xi32>
    %slice3A = vector.extract_strided_slice %get3A_10 {offsets = [0, 64], sizes = [256, 64], strides = [1, 1]} : vector<256x128xf32> to vector<256x64xf32>
    %slice3A_19 = vector.extract_strided_slice %get3A_10 {offsets = [0, 0], sizes = [256, 64], strides = [1, 1]} : vector<256x128xf32> to vector<256x64xf32>
    %broadcast_in_dim3A = vector.shape_cast %eq3A_18 : vector<256x1xi1> to vector<256x1xi1>
    %broadcast_in_dim3A_20 = vector.broadcast %broadcast_in_dim3A : vector<256x1xi1> to vector<256x64xi1>
    %select_n3A = arith.select %broadcast_in_dim3A_20, %slice3A, %slice3A_19 : vector<256x64xi1>, vector<256x64xf32>
    %get3A_21 = arith.constant 0 : index
    %get3A_22 = arith.constant 1 : index
    %get3A_23 = arith.constant 0 : index
    %get3A_24 = arith.constant 0 : index
    %get3A_25 = vector.load %arg3[%get3A_21, %get3A_22, %get3A_23, %get3A_24] : memref<1x4x256x128xf32, #tpu.memory_space<vmem>>, vector<1x1x256x128xf32>
    %get3A_26 = vector.shape_cast %get3A_25 : vector<1x1x256x128xf32> to vector<256x128xf32>
    %get3A_27 = arith.constant 0 : index
    %get3A_28 = arith.constant 1 : index
    %get3A_29 = arith.constant 0 : index
    %get3A_30 = arith.constant 0 : index
    %get3A_31 = vector.load %arg4[%get3A_27, %get3A_28, %get3A_29, %get3A_30] : memref<1x4x256x1xi32, #tpu.memory_space<vmem>>, vector<1x1x256x1xi32>
    %get3A_32 = vector.shape_cast %get3A_31 : vector<1x1x256x1xi32> to vector<256x1xi32>
    %eq3A_33 = arith.constant 1 : i32
    %eq3A_34 = vector.broadcast %eq3A_33 : i32 to vector<256x1xi32>
    %eq3A_35 = arith.cmpi eq, %get3A_32, %eq3A_34 : vector<256x1xi32>
    %slice3A_36 = vector.extract_strided_slice %get3A_26 {offsets = [0, 64], sizes = [256, 64], strides = [1, 1]} : vector<256x128xf32> to vector<256x64xf32>
    %slice3A_37 = vector.extract_strided_slice %get3A_26 {offsets = [0, 0], sizes = [256, 64], strides = [1, 1]} : vector<256x128xf32> to vector<256x64xf32>
    %broadcast_in_dim3A_38 = vector.shape_cast %eq3A_35 : vector<256x1xi1> to vector<256x1xi1>
    %broadcast_in_dim3A_39 = vector.broadcast %broadcast_in_dim3A_38 : vector<256x1xi1> to vector<256x64xi1>
    %select_n3A_40 = arith.select %broadcast_in_dim3A_39, %slice3A_36, %slice3A_37 : vector<256x64xi1>, vector<256x64xf32>
    %get3A_41 = arith.constant 0 : index
    %get3A_42 = arith.constant 2 : index
    %get3A_43 = arith.constant 0 : index
    %get3A_44 = arith.constant 0 : index
    %get3A_45 = vector.load %arg3[%get3A_41, %get3A_42, %get3A_43, %get3A_44] : memref<1x4x256x128xf32, #tpu.memory_space<vmem>>, vector<1x1x256x128xf32>
    %get3A_46 = vector.shape_cast %get3A_45 : vector<1x1x256x128xf32> to vector<256x128xf32>
    %get3A_47 = arith.constant 0 : index
    %get3A_48 = arith.constant 2 : index
    %get3A_49 = arith.constant 0 : index
    %get3A_50 = arith.constant 0 : index
    %get3A_51 = vector.load %arg4[%get3A_47, %get3A_48, %get3A_49, %get3A_50] : memref<1x4x256x1xi32, #tpu.memory_space<vmem>>, vector<1x1x256x1xi32>
    %get3A_52 = vector.shape_cast %get3A_51 : vector<1x1x256x1xi32> to vector<256x1xi32>
    %eq3A_53 = arith.constant 1 : i32
    %eq3A_54 = vector.broadcast %eq3A_53 : i32 to vector<256x1xi32>
    %eq3A_55 = arith.cmpi eq, %get3A_52, %eq3A_54 : vector<256x1xi32>
    %slice3A_56 = vector.extract_strided_slice %get3A_46 {offsets = [0, 64], sizes = [256, 64], strides = [1, 1]} : vector<256x128xf32> to vector<256x64xf32>
    %slice3A_57 = vector.extract_strided_slice %get3A_46 {offsets = [0, 0], sizes = [256, 64], strides = [1, 1]} : vector<256x128xf32> to vector<256x64xf32>
    %broadcast_in_dim3A_58 = vector.shape_cast %eq3A_55 : vector<256x1xi1> to vector<256x1xi1>
    %broadcast_in_dim3A_59 = vector.broadcast %broadcast_in_dim3A_58 : vector<256x1xi1> to vector<256x64xi1>
    %select_n3A_60 = arith.select %broadcast_in_dim3A_59, %slice3A_56, %slice3A_57 : vector<256x64xi1>, vector<256x64xf32>
    %get3A_61 = arith.constant 0 : index
    %get3A_62 = arith.constant 3 : index
    %get3A_63 = arith.constant 0 : index
    %get3A_64 = arith.constant 0 : index
    %get3A_65 = vector.load %arg3[%get3A_61, %get3A_62, %get3A_63, %get3A_64] : memref<1x4x256x128xf32, #tpu.memory_space<vmem>>, vector<1x1x256x128xf32>
    %get3A_66 = vector.shape_cast %get3A_65 : vector<1x1x256x128xf32> to vector<256x128xf32>
    %get3A_67 = arith.constant 0 : index
    %get3A_68 = arith.constant 3 : index
    %get3A_69 = arith.constant 0 : index
    %get3A_70 = arith.constant 0 : index
    %get3A_71 = vector.load %arg4[%get3A_67, %get3A_68, %get3A_69, %get3A_70] : memref<1x4x256x1xi32, #tpu.memory_space<vmem>>, vector<1x1x256x1xi32>
    %get3A_72 = vector.shape_cast %get3A_71 : vector<1x1x256x1xi32> to vector<256x1xi32>
    %eq3A_73 = arith.constant 1 : i32
    %eq3A_74 = vector.broadcast %eq3A_73 : i32 to vector<256x1xi32>
    %eq3A_75 = arith.cmpi eq, %get3A_72, %eq3A_74 : vector<256x1xi32>
    %slice3A_76 = vector.extract_strided_slice %get3A_66 {offsets = [0, 64], sizes = [256, 64], strides = [1, 1]} : vector<256x128xf32> to vector<256x64xf32>
    %slice3A_77 = vector.extract_strided_slice %get3A_66 {offsets = [0, 0], sizes = [256, 64], strides = [1, 1]} : vector<256x128xf32> to vector<256x64xf32>
    %broadcast_in_dim3A_78 = vector.shape_cast %eq3A_75 : vector<256x1xi1> to vector<256x1xi1>
    %broadcast_in_dim3A_79 = vector.broadcast %broadcast_in_dim3A_78 : vector<256x1xi1> to vector<256x64xi1>
    %select_n3A_80 = arith.select %broadcast_in_dim3A_79, %slice3A_76, %slice3A_77 : vector<256x64xi1>, vector<256x64xf32>
    %iota3A = tpu.iota {dimensions = array<i32: 0>} : vector<256x1xi32>
    %iota3A_81 = tpu.iota {dimensions = array<i32: 1>} : vector<256x256xi32>
    %get3A_82 = arith.constant 0 : index
    %get3A_83 = arith.constant 0 : index
    %get3A_84 = arith.constant 0 : index
    %get3A_85 = vector.load %arg5[%get3A_82, %get3A_83, %get3A_84] : memref<1x256x1xi32, #tpu.memory_space<vmem>>, vector<1x256x1xi32>
    %get3A_86 = vector.shape_cast %get3A_85 : vector<1x256x1xi32> to vector<256x1xi32>
    %get3A_87 = arith.constant 0 : index
    %get3A_88 = arith.constant 0 : index
    %get3A_89 = arith.constant 0 : index
    %get3A_90 = vector.load %arg6[%get3A_87, %get3A_88, %get3A_89] : memref<1x256x1xi32, #tpu.memory_space<vmem>>, vector<1x256x1xi32>
    %get3A_91 = vector.shape_cast %get3A_90 : vector<1x256x1xi32> to vector<256x1xi32>
    %eq3A_92 = vector.broadcast %get3A_86 : vector<256x1xi32> to vector<256x256xi32>
    %eq3A_93 = arith.cmpi eq, %eq3A_92, %iota3A_81 : vector<256x256xi32>
    %convert_element_type3A = arith.extui %eq3A_93 : vector<256x256xi1> to vector<256x256xi32>
    %convert_element_type3A_94 = arith.sitofp %convert_element_type3A : vector<256x256xi32> to vector<256x256xf32>
    %eq3A_95 = vector.broadcast %get3A_91 : vector<256x1xi32> to vector<256x256xi32>
    %eq3A_96 = arith.cmpi eq, %eq3A_95, %iota3A_81 : vector<256x256xi32>
    %convert_element_type3A_97 = arith.extui %eq3A_96 : vector<256x256xi1> to vector<256x256xi32>
    %convert_element_type3A_98 = arith.sitofp %convert_element_type3A_97 : vector<256x256xi32> to vector<256x256xf32>
    %eq3A_99 = vector.broadcast %get3A_1 : i32 to vector<256x1xi32>
    %eq3A_100 = arith.cmpi eq, %iota3A, %eq3A_99 : vector<256x1xi32>
    %eq3A_101 = arith.constant 0 : i32
    %eq3A_102 = vector.broadcast %eq3A_101 : i32 to vector<256x1xi32>
    %eq3A_103 = arith.cmpi eq, %iota3A, %eq3A_102 : vector<256x1xi32>
    %convert_element_type3A_104 = arith.extui %eq3A_103 : vector<256x1xi1> to vector<256x1xi32>
    %convert_element_type3A_105 = arith.sitofp %convert_element_type3A_104 : vector<256x1xi32> to vector<256x1xf32>
    %broadcast_in_dim3A_106 = arith.constant 0.000000e+00 : f32
    %broadcast_in_dim3A_107 = vector.broadcast %broadcast_in_dim3A_106 : f32 to vector<256x256xf32>
    %get3A_108 = arith.constant 0 : index
    %get3A_109 = arith.constant 0 : index
    %get3A_110 = arith.constant 0 : index
    %get3A_111 = vector.load %arg7[%get3A_108, %get3A_109, %get3A_110] : memref<2x64x256xf32, #tpu.memory_space<vmem>>, vector<1x64x256xf32>
    %get3A_112 = vector.shape_cast %get3A_111 : vector<1x64x256xf32> to vector<64x256xf32>
    %dot_general3A = arith.constant dense<0.000000e+00> : vector<256x256xf32>
    %dot_general3A_113 = tpu.matmul %select_n3A, %get3A_112, %dot_general3A {dimension_numbers = #tpu.dot_dimension_numbers<[1], [0], [0], [1], [0, 0, 1, 1], [], []>, transpose_lhs_hint = false} : vector<256x64xf32>, vector<64x256xf32>, vector<256x256xf32> -> vector<256x256xf32>
    %get3A_114 = arith.constant 0 : index
    %get3A_115 = arith.constant 0 : index
    %get3A_116 = vector.load %arg9[%get3A_114, %get3A_115] : memref<2x256xf32, #tpu.memory_space<vmem>>, vector<1x256xf32>
    %add3A = vector.broadcast %get3A_116 : vector<1x256xf32> to vector<256x256xf32>
    %add3A_117 = arith.addf %dot_general3A_113, %add3A : vector<256x256xf32>
    %get3A_118 = arith.constant 0 : index
    %get3A_119 = arith.constant 0 : index
    %get3A_120 = arith.constant 0 : index
    %get3A_121 = vector.load %arg7[%get3A_118, %get3A_119, %get3A_120] : memref<2x64x256xf32, #tpu.memory_space<vmem>>, vector<1x64x256xf32>
    %get3A_122 = vector.shape_cast %get3A_121 : vector<1x64x256xf32> to vector<64x256xf32>
    %dot_general3A_123 = arith.constant dense<0.000000e+00> : vector<256x256xf32>
    %dot_general3A_124 = tpu.matmul %select_n3A_40, %get3A_122, %dot_general3A_123 {dimension_numbers = #tpu.dot_dimension_numbers<[1], [0], [0], [1], [0, 0, 1, 1], [], []>, transpose_lhs_hint = false} : vector<256x64xf32>, vector<64x256xf32>, vector<256x256xf32> -> vector<256x256xf32>
    %get3A_125 = arith.constant 0 : index
    %get3A_126 = arith.constant 0 : index
    %get3A_127 = vector.load %arg9[%get3A_125, %get3A_126] : memref<2x256xf32, #tpu.memory_space<vmem>>, vector<1x256xf32>
    %add3A_128 = vector.broadcast %get3A_127 : vector<1x256xf32> to vector<256x256xf32>
    %add3A_129 = arith.addf %dot_general3A_124, %add3A_128 : vector<256x256xf32>
    %get3A_130 = arith.constant 0 : index
    %get3A_131 = arith.constant 0 : index
    %get3A_132 = arith.constant 0 : index
    %get3A_133 = vector.load %arg7[%get3A_130, %get3A_131, %get3A_132] : memref<2x64x256xf32, #tpu.memory_space<vmem>>, vector<1x64x256xf32>
    %get3A_134 = vector.shape_cast %get3A_133 : vector<1x64x256xf32> to vector<64x256xf32>
    %dot_general3A_135 = arith.constant dense<0.000000e+00> : vector<256x256xf32>
    %dot_general3A_136 = tpu.matmul %select_n3A_60, %get3A_134, %dot_general3A_135 {dimension_numbers = #tpu.dot_dimension_numbers<[1], [0], [0], [1], [0, 0, 1, 1], [], []>, transpose_lhs_hint = false} : vector<256x64xf32>, vector<64x256xf32>, vector<256x256xf32> -> vector<256x256xf32>
    %get3A_137 = arith.constant 0 : index
    %get3A_138 = arith.constant 0 : index
    %get3A_139 = vector.load %arg9[%get3A_137, %get3A_138] : memref<2x256xf32, #tpu.memory_space<vmem>>, vector<1x256xf32>
    %add3A_140 = vector.broadcast %get3A_139 : vector<1x256xf32> to vector<256x256xf32>
    %add3A_141 = arith.addf %dot_general3A_136, %add3A_140 : vector<256x256xf32>
    %get3A_142 = arith.constant 0 : index
    %get3A_143 = arith.constant 0 : index
    %get3A_144 = arith.constant 0 : index
    %get3A_145 = vector.load %arg7[%get3A_142, %get3A_143, %get3A_144] : memref<2x64x256xf32, #tpu.memory_space<vmem>>, vector<1x64x256xf32>
    %get3A_146 = vector.shape_cast %get3A_145 : vector<1x64x256xf32> to vector<64x256xf32>
    %dot_general3A_147 = arith.constant dense<0.000000e+00> : vector<256x256xf32>
    %dot_general3A_148 = tpu.matmul %select_n3A_80, %get3A_146, %dot_general3A_147 {dimension_numbers = #tpu.dot_dimension_numbers<[1], [0], [0], [1], [0, 0, 1, 1], [], []>, transpose_lhs_hint = false} : vector<256x64xf32>, vector<64x256xf32>, vector<256x256xf32> -> vector<256x256xf32>
    %get3A_149 = arith.constant 0 : index
    %get3A_150 = arith.constant 0 : index
    %get3A_151 = vector.load %arg9[%get3A_149, %get3A_150] : memref<2x256xf32, #tpu.memory_space<vmem>>, vector<1x256xf32>
    %add3A_152 = vector.broadcast %get3A_151 : vector<1x256xf32> to vector<256x256xf32>
    %add3A_153 = arith.addf %dot_general3A_148, %add3A_152 : vector<256x256xf32>
    %get3A_154 = arith.constant 1 : index
    %get3A_155 = arith.constant 0 : index
    %get3A_156 = arith.constant 0 : index
    %get3A_157 = vector.load %arg7[%get3A_154, %get3A_155, %get3A_156] : memref<2x64x256xf32, #tpu.memory_space<vmem>>, vector<1x64x256xf32>
    %get3A_158 = vector.shape_cast %get3A_157 : vector<1x64x256xf32> to vector<64x256xf32>
    %get3A_159 = arith.constant 1 : index
    %get3A_160 = arith.constant 0 : index
    %get3A_161 = arith.constant 0 : index
    %get3A_162 = vector.load %arg8[%get3A_159, %get3A_160, %get3A_161] : memref<2x64x256xf32, #tpu.memory_space<vmem>>, vector<1x64x256xf32>
    %get3A_163 = vector.shape_cast %get3A_162 : vector<1x64x256xf32> to vector<64x256xf32>
    %concatenate3A = tpu.concatenate %get3A_158, %get3A_163 in 0 : vector<64x256xf32>, vector<64x256xf32> -> vector<128x256xf32>
    %while3A = arith.constant 0 : i32
    %while3A_164 = arith.subi %get3A_4, %while3A : i32
    %while3A_165 = arith.addi %while3A, %while3A_164 : i32
    %while3A_166 = arith.constant 1 : i32
    %while3A_167 = arith.divsi %while3A_164, %while3A_166 : i32
    %while3A_168 = arith.muli %while3A_167, %while3A_166 : i32
    %while3A_169 = arith.addi %while3A, %while3A_168 : i32
    %while3A_170 = arith.constant 1 : i32
    %while3A_171:2 = scf.for %while3A_194 = %while3A to %while3A_169 step %while3A_170 iter_args(%while3A_195 = %broadcast_in_dim3A_107, %while3A_196 = %convert_element_type3A_105) -> (vector<256x256xf32>, vector<256x1xf32>)  : i32 {
      %slice3A_197 = vector.extract_strided_slice %while3A_195 {offsets = [0, 0], sizes = [256, 64], strides = [1, 1]} : vector<256x256xf32> to vector<256x64xf32>
      %slice3A_198 = vector.extract_strided_slice %while3A_195 {offsets = [0, 64], sizes = [256, 64], strides = [1, 1]} : vector<256x256xf32> to vector<256x64xf32>
      %slice3A_199 = vector.extract_strided_slice %while3A_195 {offsets = [0, 128], sizes = [256, 64], strides = [1, 1]} : vector<256x256xf32> to vector<256x64xf32>
      %slice3A_200 = vector.extract_strided_slice %while3A_195 {offsets = [0, 192], sizes = [256, 64], strides = [1, 1]} : vector<256x256xf32> to vector<256x64xf32>
      %get3A_201 = arith.constant 0 : index
      %get3A_202 = arith.constant 0 : index
      %get3A_203 = arith.constant 0 : index
      %get3A_204 = vector.load %arg8[%get3A_201, %get3A_202, %get3A_203] : memref<2x64x256xf32, #tpu.memory_space<vmem>>, vector<1x64x256xf32>
      %get3A_205 = vector.shape_cast %get3A_204 : vector<1x64x256xf32> to vector<64x256xf32>
      %dot_general3A_206 = arith.constant dense<0.000000e+00> : vector<256x256xf32>
      %dot_general3A_207 = tpu.matmul %slice3A_198, %get3A_205, %dot_general3A_206 {dimension_numbers = #tpu.dot_dimension_numbers<[1], [0], [0], [1], [0, 0, 1, 1], [], []>, transpose_lhs_hint = false} : vector<256x64xf32>, vector<64x256xf32>, vector<256x256xf32> -> vector<256x256xf32>
      %add3A_208 = arith.addf %add3A_117, %dot_general3A_207 : vector<256x256xf32>
      %slice3A_209 = vector.extract_strided_slice %add3A_208 {offsets = [0, 64], sizes = [256, 64], strides = [1, 1]} : vector<256x256xf32> to vector<256x64xf32>
      %mul3A = arith.constant 5.000000e-01 : f32
      %mul3A_210 = vector.broadcast %mul3A : f32 to vector<256x64xf32>
      %mul3A_211 = arith.mulf %mul3A_210, %slice3A_209 : vector<256x64xf32>
      %tanh3A = math.tanh %mul3A_211 : vector<256x64xf32>
      %mul3A_212 = arith.constant 5.000000e-01 : f32
      %mul3A_213 = vector.broadcast %mul3A_212 : f32 to vector<256x64xf32>
      %mul3A_214 = arith.mulf %mul3A_213, %tanh3A : vector<256x64xf32>
      %add3A_215 = arith.constant 5.000000e-01 : f32
      %add3A_216 = vector.broadcast %add3A_215 : f32 to vector<256x64xf32>
      %add3A_217 = arith.addf %mul3A_214, %add3A_216 : vector<256x64xf32>
      %mul3A_218 = arith.mulf %add3A_217, %slice3A_197 : vector<256x64xf32>
      %slice3A_219 = vector.extract_strided_slice %add3A_208 {offsets = [0, 0], sizes = [256, 64], strides = [1, 1]} : vector<256x256xf32> to vector<256x64xf32>
      %mul3A_220 = arith.constant 5.000000e-01 : f32
      %mul3A_221 = vector.broadcast %mul3A_220 : f32 to vector<256x64xf32>
      %mul3A_222 = arith.mulf %mul3A_221, %slice3A_219 : vector<256x64xf32>
      %tanh3A_223 = math.tanh %mul3A_222 : vector<256x64xf32>
      %mul3A_224 = arith.constant 5.000000e-01 : f32
      %mul3A_225 = vector.broadcast %mul3A_224 : f32 to vector<256x64xf32>
      %mul3A_226 = arith.mulf %mul3A_225, %tanh3A_223 : vector<256x64xf32>
      %add3A_227 = arith.constant 5.000000e-01 : f32
      %add3A_228 = vector.broadcast %add3A_227 : f32 to vector<256x64xf32>
      %add3A_229 = arith.addf %mul3A_226, %add3A_228 : vector<256x64xf32>
      %slice3A_230 = vector.extract_strided_slice %add3A_208 {offsets = [0, 128], sizes = [256, 64], strides = [1, 1]} : vector<256x256xf32> to vector<256x64xf32>
      %tanh3A_231 = math.tanh %slice3A_230 : vector<256x64xf32>
      %mul3A_232 = arith.mulf %add3A_229, %tanh3A_231 : vector<256x64xf32>
      %add3A_233 = arith.addf %mul3A_218, %mul3A_232 : vector<256x64xf32>
      %slice3A_234 = vector.extract_strided_slice %add3A_208 {offsets = [0, 192], sizes = [256, 64], strides = [1, 1]} : vector<256x256xf32> to vector<256x64xf32>
      %mul3A_235 = arith.constant 5.000000e-01 : f32
      %mul3A_236 = vector.broadcast %mul3A_235 : f32 to vector<256x64xf32>
      %mul3A_237 = arith.mulf %mul3A_236, %slice3A_234 : vector<256x64xf32>
      %tanh3A_238 = math.tanh %mul3A_237 : vector<256x64xf32>
      %mul3A_239 = arith.constant 5.000000e-01 : f32
      %mul3A_240 = vector.broadcast %mul3A_239 : f32 to vector<256x64xf32>
      %mul3A_241 = arith.mulf %mul3A_240, %tanh3A_238 : vector<256x64xf32>
      %add3A_242 = arith.constant 5.000000e-01 : f32
      %add3A_243 = vector.broadcast %add3A_242 : f32 to vector<256x64xf32>
      %add3A_244 = arith.addf %mul3A_241, %add3A_243 : vector<256x64xf32>
      %tanh3A_245 = math.tanh %add3A_233 : vector<256x64xf32>
      %mul3A_246 = arith.mulf %add3A_244, %tanh3A_245 : vector<256x64xf32>
      %concatenate3A_247 = tpu.concatenate %mul3A_246, %slice3A_200 in 1 : vector<256x64xf32>, vector<256x64xf32> -> vector<256x128xf32>
      %dot_general3A_248 = arith.constant dense<0.000000e+00> : vector<256x256xf32>
      %dot_general3A_249 = tpu.matmul %concatenate3A_247, %concatenate3A, %dot_general3A_248 {dimension_numbers = #tpu.dot_dimension_numbers<[1], [0], [0], [1], [0, 0, 1, 1], [], []>, transpose_lhs_hint = false} : vector<256x128xf32>, vector<128x256xf32>, vector<256x256xf32> -> vector<256x256xf32>
      %get3A_250 = arith.constant 1 : index
      %get3A_251 = arith.constant 0 : index
      %get3A_252 = vector.load %arg9[%get3A_250, %get3A_251] : memref<2x256xf32, #tpu.memory_space<vmem>>, vector<1x256xf32>
      %add3A_253 = vector.broadcast %get3A_252 : vector<1x256xf32> to vector<256x256xf32>
      %add3A_254 = arith.addf %dot_general3A_249, %add3A_253 : vector<256x256xf32>
      %slice3A_255 = vector.extract_strided_slice %add3A_254 {offsets = [0, 64], sizes = [256, 64], strides = [1, 1]} : vector<256x256xf32> to vector<256x64xf32>
      %mul3A_256 = arith.constant 5.000000e-01 : f32
      %mul3A_257 = vector.broadcast %mul3A_256 : f32 to vector<256x64xf32>
      %mul3A_258 = arith.mulf %mul3A_257, %slice3A_255 : vector<256x64xf32>
      %tanh3A_259 = math.tanh %mul3A_258 : vector<256x64xf32>
      %mul3A_260 = arith.constant 5.000000e-01 : f32
      %mul3A_261 = vector.broadcast %mul3A_260 : f32 to vector<256x64xf32>
      %mul3A_262 = arith.mulf %mul3A_261, %tanh3A_259 : vector<256x64xf32>
      %add3A_263 = arith.constant 5.000000e-01 : f32
      %add3A_264 = vector.broadcast %add3A_263 : f32 to vector<256x64xf32>
      %add3A_265 = arith.addf %mul3A_262, %add3A_264 : vector<256x64xf32>
      %mul3A_266 = arith.mulf %add3A_265, %slice3A_199 : vector<256x64xf32>
      %slice3A_267 = vector.extract_strided_slice %add3A_254 {offsets = [0, 0], sizes = [256, 64], strides = [1, 1]} : vector<256x256xf32> to vector<256x64xf32>
      %mul3A_268 = arith.constant 5.000000e-01 : f32
      %mul3A_269 = vector.broadcast %mul3A_268 : f32 to vector<256x64xf32>
      %mul3A_270 = arith.mulf %mul3A_269, %slice3A_267 : vector<256x64xf32>
      %tanh3A_271 = math.tanh %mul3A_270 : vector<256x64xf32>
      %mul3A_272 = arith.constant 5.000000e-01 : f32
      %mul3A_273 = vector.broadcast %mul3A_272 : f32 to vector<256x64xf32>
      %mul3A_274 = arith.mulf %mul3A_273, %tanh3A_271 : vector<256x64xf32>
      %add3A_275 = arith.constant 5.000000e-01 : f32
      %add3A_276 = vector.broadcast %add3A_275 : f32 to vector<256x64xf32>
      %add3A_277 = arith.addf %mul3A_274, %add3A_276 : vector<256x64xf32>
      %slice3A_278 = vector.extract_strided_slice %add3A_254 {offsets = [0, 128], sizes = [256, 64], strides = [1, 1]} : vector<256x256xf32> to vector<256x64xf32>
      %tanh3A_279 = math.tanh %slice3A_278 : vector<256x64xf32>
      %mul3A_280 = arith.mulf %add3A_277, %tanh3A_279 : vector<256x64xf32>
      %add3A_281 = arith.addf %mul3A_266, %mul3A_280 : vector<256x64xf32>
      %slice3A_282 = vector.extract_strided_slice %add3A_254 {offsets = [0, 192], sizes = [256, 64], strides = [1, 1]} : vector<256x256xf32> to vector<256x64xf32>
      %mul3A_283 = arith.constant 5.000000e-01 : f32
      %mul3A_284 = vector.broadcast %mul3A_283 : f32 to vector<256x64xf32>
      %mul3A_285 = arith.mulf %mul3A_284, %slice3A_282 : vector<256x64xf32>
      %tanh3A_286 = math.tanh %mul3A_285 : vector<256x64xf32>
      %mul3A_287 = arith.constant 5.000000e-01 : f32
      %mul3A_288 = vector.broadcast %mul3A_287 : f32 to vector<256x64xf32>
      %mul3A_289 = arith.mulf %mul3A_288, %tanh3A_286 : vector<256x64xf32>
      %add3A_290 = arith.constant 5.000000e-01 : f32
      %add3A_291 = vector.broadcast %add3A_290 : f32 to vector<256x64xf32>
      %add3A_292 = arith.addf %mul3A_289, %add3A_291 : vector<256x64xf32>
      %tanh3A_293 = math.tanh %add3A_281 : vector<256x64xf32>
      %mul3A_294 = arith.mulf %add3A_292, %tanh3A_293 : vector<256x64xf32>
      %get3A_295 = arith.constant 0 : index
      %get3A_296 = arith.constant 0 : index
      %get3A_297 = arith.constant 0 : index
      %get3A_298 = vector.load %arg8[%get3A_295, %get3A_296, %get3A_297] : memref<2x64x256xf32, #tpu.memory_space<vmem>>, vector<1x64x256xf32>
      %get3A_299 = vector.shape_cast %get3A_298 : vector<1x64x256xf32> to vector<64x256xf32>
      %dot_general3A_300 = arith.constant dense<0.000000e+00> : vector<256x256xf32>
      %dot_general3A_301 = tpu.matmul %mul3A_246, %get3A_299, %dot_general3A_300 {dimension_numbers = #tpu.dot_dimension_numbers<[1], [0], [0], [1], [0, 0, 1, 1], [], []>, transpose_lhs_hint = false} : vector<256x64xf32>, vector<64x256xf32>, vector<256x256xf32> -> vector<256x256xf32>
      %add3A_302 = arith.addf %add3A_129, %dot_general3A_301 : vector<256x256xf32>
      %slice3A_303 = vector.extract_strided_slice %add3A_302 {offsets = [0, 64], sizes = [256, 64], strides = [1, 1]} : vector<256x256xf32> to vector<256x64xf32>
      %mul3A_304 = arith.constant 5.000000e-01 : f32
      %mul3A_305 = vector.broadcast %mul3A_304 : f32 to vector<256x64xf32>
      %mul3A_306 = arith.mulf %mul3A_305, %slice3A_303 : vector<256x64xf32>
      %tanh3A_307 = math.tanh %mul3A_306 : vector<256x64xf32>
      %mul3A_308 = arith.constant 5.000000e-01 : f32
      %mul3A_309 = vector.broadcast %mul3A_308 : f32 to vector<256x64xf32>
      %mul3A_310 = arith.mulf %mul3A_309, %tanh3A_307 : vector<256x64xf32>
      %add3A_311 = arith.constant 5.000000e-01 : f32
      %add3A_312 = vector.broadcast %add3A_311 : f32 to vector<256x64xf32>
      %add3A_313 = arith.addf %mul3A_310, %add3A_312 : vector<256x64xf32>
      %mul3A_314 = arith.mulf %add3A_313, %add3A_233 : vector<256x64xf32>
      %slice3A_315 = vector.extract_strided_slice %add3A_302 {offsets = [0, 0], sizes = [256, 64], strides = [1, 1]} : vector<256x256xf32> to vector<256x64xf32>
      %mul3A_316 = arith.constant 5.000000e-01 : f32
      %mul3A_317 = vector.broadcast %mul3A_316 : f32 to vector<256x64xf32>
      %mul3A_318 = arith.mulf %mul3A_317, %slice3A_315 : vector<256x64xf32>
      %tanh3A_319 = math.tanh %mul3A_318 : vector<256x64xf32>
      %mul3A_320 = arith.constant 5.000000e-01 : f32
      %mul3A_321 = vector.broadcast %mul3A_320 : f32 to vector<256x64xf32>
      %mul3A_322 = arith.mulf %mul3A_321, %tanh3A_319 : vector<256x64xf32>
      %add3A_323 = arith.constant 5.000000e-01 : f32
      %add3A_324 = vector.broadcast %add3A_323 : f32 to vector<256x64xf32>
      %add3A_325 = arith.addf %mul3A_322, %add3A_324 : vector<256x64xf32>
      %slice3A_326 = vector.extract_strided_slice %add3A_302 {offsets = [0, 128], sizes = [256, 64], strides = [1, 1]} : vector<256x256xf32> to vector<256x64xf32>
      %tanh3A_327 = math.tanh %slice3A_326 : vector<256x64xf32>
      %mul3A_328 = arith.mulf %add3A_325, %tanh3A_327 : vector<256x64xf32>
      %add3A_329 = arith.addf %mul3A_314, %mul3A_328 : vector<256x64xf32>
      %slice3A_330 = vector.extract_strided_slice %add3A_302 {offsets = [0, 192], sizes = [256, 64], strides = [1, 1]} : vector<256x256xf32> to vector<256x64xf32>
      %mul3A_331 = arith.constant 5.000000e-01 : f32
      %mul3A_332 = vector.broadcast %mul3A_331 : f32 to vector<256x64xf32>
      %mul3A_333 = arith.mulf %mul3A_332, %slice3A_330 : vector<256x64xf32>
      %tanh3A_334 = math.tanh %mul3A_333 : vector<256x64xf32>
      %mul3A_335 = arith.constant 5.000000e-01 : f32
      %mul3A_336 = vector.broadcast %mul3A_335 : f32 to vector<256x64xf32>
      %mul3A_337 = arith.mulf %mul3A_336, %tanh3A_334 : vector<256x64xf32>
      %add3A_338 = arith.constant 5.000000e-01 : f32
      %add3A_339 = vector.broadcast %add3A_338 : f32 to vector<256x64xf32>
      %add3A_340 = arith.addf %mul3A_337, %add3A_339 : vector<256x64xf32>
      %tanh3A_341 = math.tanh %add3A_329 : vector<256x64xf32>
      %mul3A_342 = arith.mulf %add3A_340, %tanh3A_341 : vector<256x64xf32>
      %concatenate3A_343 = tpu.concatenate %mul3A_342, %mul3A_294 in 1 : vector<256x64xf32>, vector<256x64xf32> -> vector<256x128xf32>
      %dot_general3A_344 = arith.constant dense<0.000000e+00> : vector<256x256xf32>
      %dot_general3A_345 = tpu.matmul %concatenate3A_343, %concatenate3A, %dot_general3A_344 {dimension_numbers = #tpu.dot_dimension_numbers<[1], [0], [0], [1], [0, 0, 1, 1], [], []>, transpose_lhs_hint = false} : vector<256x128xf32>, vector<128x256xf32>, vector<256x256xf32> -> vector<256x256xf32>
      %get3A_346 = arith.constant 1 : index
      %get3A_347 = arith.constant 0 : index
      %get3A_348 = vector.load %arg9[%get3A_346, %get3A_347] : memref<2x256xf32, #tpu.memory_space<vmem>>, vector<1x256xf32>
      %add3A_349 = vector.broadcast %get3A_348 : vector<1x256xf32> to vector<256x256xf32>
      %add3A_350 = arith.addf %dot_general3A_345, %add3A_349 : vector<256x256xf32>
      %slice3A_351 = vector.extract_strided_slice %add3A_350 {offsets = [0, 64], sizes = [256, 64], strides = [1, 1]} : vector<256x256xf32> to vector<256x64xf32>
      %mul3A_352 = arith.constant 5.000000e-01 : f32
      %mul3A_353 = vector.broadcast %mul3A_352 : f32 to vector<256x64xf32>
      %mul3A_354 = arith.mulf %mul3A_353, %slice3A_351 : vector<256x64xf32>
      %tanh3A_355 = math.tanh %mul3A_354 : vector<256x64xf32>
      %mul3A_356 = arith.constant 5.000000e-01 : f32
      %mul3A_357 = vector.broadcast %mul3A_356 : f32 to vector<256x64xf32>
      %mul3A_358 = arith.mulf %mul3A_357, %tanh3A_355 : vector<256x64xf32>
      %add3A_359 = arith.constant 5.000000e-01 : f32
      %add3A_360 = vector.broadcast %add3A_359 : f32 to vector<256x64xf32>
      %add3A_361 = arith.addf %mul3A_358, %add3A_360 : vector<256x64xf32>
      %mul3A_362 = arith.mulf %add3A_361, %add3A_281 : vector<256x64xf32>
      %slice3A_363 = vector.extract_strided_slice %add3A_350 {offsets = [0, 0], sizes = [256, 64], strides = [1, 1]} : vector<256x256xf32> to vector<256x64xf32>
      %mul3A_364 = arith.constant 5.000000e-01 : f32
      %mul3A_365 = vector.broadcast %mul3A_364 : f32 to vector<256x64xf32>
      %mul3A_366 = arith.mulf %mul3A_365, %slice3A_363 : vector<256x64xf32>
      %tanh3A_367 = math.tanh %mul3A_366 : vector<256x64xf32>
      %mul3A_368 = arith.constant 5.000000e-01 : f32
      %mul3A_369 = vector.broadcast %mul3A_368 : f32 to vector<256x64xf32>
      %mul3A_370 = arith.mulf %mul3A_369, %tanh3A_367 : vector<256x64xf32>
      %add3A_371 = arith.constant 5.000000e-01 : f32
      %add3A_372 = vector.broadcast %add3A_371 : f32 to vector<256x64xf32>
      %add3A_373 = arith.addf %mul3A_370, %add3A_372 : vector<256x64xf32>
      %slice3A_374 = vector.extract_strided_slice %add3A_350 {offsets = [0, 128], sizes = [256, 64], strides = [1, 1]} : vector<256x256xf32> to vector<256x64xf32>
      %tanh3A_375 = math.tanh %slice3A_374 : vector<256x64xf32>
      %mul3A_376 = arith.mulf %add3A_373, %tanh3A_375 : vector<256x64xf32>
      %add3A_377 = arith.addf %mul3A_362, %mul3A_376 : vector<256x64xf32>
      %slice3A_378 = vector.extract_strided_slice %add3A_350 {offsets = [0, 192], sizes = [256, 64], strides = [1, 1]} : vector<256x256xf32> to vector<256x64xf32>
      %mul3A_379 = arith.constant 5.000000e-01 : f32
      %mul3A_380 = vector.broadcast %mul3A_379 : f32 to vector<256x64xf32>
      %mul3A_381 = arith.mulf %mul3A_380, %slice3A_378 : vector<256x64xf32>
      %tanh3A_382 = math.tanh %mul3A_381 : vector<256x64xf32>
      %mul3A_383 = arith.constant 5.000000e-01 : f32
      %mul3A_384 = vector.broadcast %mul3A_383 : f32 to vector<256x64xf32>
      %mul3A_385 = arith.mulf %mul3A_384, %tanh3A_382 : vector<256x64xf32>
      %add3A_386 = arith.constant 5.000000e-01 : f32
      %add3A_387 = vector.broadcast %add3A_386 : f32 to vector<256x64xf32>
      %add3A_388 = arith.addf %mul3A_385, %add3A_387 : vector<256x64xf32>
      %tanh3A_389 = math.tanh %add3A_377 : vector<256x64xf32>
      %mul3A_390 = arith.mulf %add3A_388, %tanh3A_389 : vector<256x64xf32>
      %get3A_391 = arith.constant 0 : index
      %get3A_392 = arith.constant 0 : index
      %get3A_393 = arith.constant 0 : index
      %get3A_394 = vector.load %arg8[%get3A_391, %get3A_392, %get3A_393] : memref<2x64x256xf32, #tpu.memory_space<vmem>>, vector<1x64x256xf32>
      %get3A_395 = vector.shape_cast %get3A_394 : vector<1x64x256xf32> to vector<64x256xf32>
      %dot_general3A_396 = arith.constant dense<0.000000e+00> : vector<256x256xf32>
      %dot_general3A_397 = tpu.matmul %mul3A_342, %get3A_395, %dot_general3A_396 {dimension_numbers = #tpu.dot_dimension_numbers<[1], [0], [0], [1], [0, 0, 1, 1], [], []>, transpose_lhs_hint = false} : vector<256x64xf32>, vector<64x256xf32>, vector<256x256xf32> -> vector<256x256xf32>
      %add3A_398 = arith.addf %add3A_141, %dot_general3A_397 : vector<256x256xf32>
      %slice3A_399 = vector.extract_strided_slice %add3A_398 {offsets = [0, 64], sizes = [256, 64], strides = [1, 1]} : vector<256x256xf32> to vector<256x64xf32>
      %mul3A_400 = arith.constant 5.000000e-01 : f32
      %mul3A_401 = vector.broadcast %mul3A_400 : f32 to vector<256x64xf32>
      %mul3A_402 = arith.mulf %mul3A_401, %slice3A_399 : vector<256x64xf32>
      %tanh3A_403 = math.tanh %mul3A_402 : vector<256x64xf32>
      %mul3A_404 = arith.constant 5.000000e-01 : f32
      %mul3A_405 = vector.broadcast %mul3A_404 : f32 to vector<256x64xf32>
      %mul3A_406 = arith.mulf %mul3A_405, %tanh3A_403 : vector<256x64xf32>
      %add3A_407 = arith.constant 5.000000e-01 : f32
      %add3A_408 = vector.broadcast %add3A_407 : f32 to vector<256x64xf32>
      %add3A_409 = arith.addf %mul3A_406, %add3A_408 : vector<256x64xf32>
      %mul3A_410 = arith.mulf %add3A_409, %add3A_329 : vector<256x64xf32>
      %slice3A_411 = vector.extract_strided_slice %add3A_398 {offsets = [0, 0], sizes = [256, 64], strides = [1, 1]} : vector<256x256xf32> to vector<256x64xf32>
      %mul3A_412 = arith.constant 5.000000e-01 : f32
      %mul3A_413 = vector.broadcast %mul3A_412 : f32 to vector<256x64xf32>
      %mul3A_414 = arith.mulf %mul3A_413, %slice3A_411 : vector<256x64xf32>
      %tanh3A_415 = math.tanh %mul3A_414 : vector<256x64xf32>
      %mul3A_416 = arith.constant 5.000000e-01 : f32
      %mul3A_417 = vector.broadcast %mul3A_416 : f32 to vector<256x64xf32>
      %mul3A_418 = arith.mulf %mul3A_417, %tanh3A_415 : vector<256x64xf32>
      %add3A_419 = arith.constant 5.000000e-01 : f32
      %add3A_420 = vector.broadcast %add3A_419 : f32 to vector<256x64xf32>
      %add3A_421 = arith.addf %mul3A_418, %add3A_420 : vector<256x64xf32>
      %slice3A_422 = vector.extract_strided_slice %add3A_398 {offsets = [0, 128], sizes = [256, 64], strides = [1, 1]} : vector<256x256xf32> to vector<256x64xf32>
      %tanh3A_423 = math.tanh %slice3A_422 : vector<256x64xf32>
      %mul3A_424 = arith.mulf %add3A_421, %tanh3A_423 : vector<256x64xf32>
      %add3A_425 = arith.addf %mul3A_410, %mul3A_424 : vector<256x64xf32>
      %slice3A_426 = vector.extract_strided_slice %add3A_398 {offsets = [0, 192], sizes = [256, 64], strides = [1, 1]} : vector<256x256xf32> to vector<256x64xf32>
      %mul3A_427 = arith.constant 5.000000e-01 : f32
      %mul3A_428 = vector.broadcast %mul3A_427 : f32 to vector<256x64xf32>
      %mul3A_429 = arith.mulf %mul3A_428, %slice3A_426 : vector<256x64xf32>
      %tanh3A_430 = math.tanh %mul3A_429 : vector<256x64xf32>
      %mul3A_431 = arith.constant 5.000000e-01 : f32
      %mul3A_432 = vector.broadcast %mul3A_431 : f32 to vector<256x64xf32>
      %mul3A_433 = arith.mulf %mul3A_432, %tanh3A_430 : vector<256x64xf32>
      %add3A_434 = arith.constant 5.000000e-01 : f32
      %add3A_435 = vector.broadcast %add3A_434 : f32 to vector<256x64xf32>
      %add3A_436 = arith.addf %mul3A_433, %add3A_435 : vector<256x64xf32>
      %tanh3A_437 = math.tanh %add3A_425 : vector<256x64xf32>
      %mul3A_438 = arith.mulf %add3A_436, %tanh3A_437 : vector<256x64xf32>
      %concatenate3A_439 = tpu.concatenate %mul3A_438, %mul3A_390 in 1 : vector<256x64xf32>, vector<256x64xf32> -> vector<256x128xf32>
      %dot_general3A_440 = arith.constant dense<0.000000e+00> : vector<256x256xf32>
      %dot_general3A_441 = tpu.matmul %concatenate3A_439, %concatenate3A, %dot_general3A_440 {dimension_numbers = #tpu.dot_dimension_numbers<[1], [0], [0], [1], [0, 0, 1, 1], [], []>, transpose_lhs_hint = false} : vector<256x128xf32>, vector<128x256xf32>, vector<256x256xf32> -> vector<256x256xf32>
      %get3A_442 = arith.constant 1 : index
      %get3A_443 = arith.constant 0 : index
      %get3A_444 = vector.load %arg9[%get3A_442, %get3A_443] : memref<2x256xf32, #tpu.memory_space<vmem>>, vector<1x256xf32>
      %add3A_445 = vector.broadcast %get3A_444 : vector<1x256xf32> to vector<256x256xf32>
      %add3A_446 = arith.addf %dot_general3A_441, %add3A_445 : vector<256x256xf32>
      %slice3A_447 = vector.extract_strided_slice %add3A_446 {offsets = [0, 64], sizes = [256, 64], strides = [1, 1]} : vector<256x256xf32> to vector<256x64xf32>
      %mul3A_448 = arith.constant 5.000000e-01 : f32
      %mul3A_449 = vector.broadcast %mul3A_448 : f32 to vector<256x64xf32>
      %mul3A_450 = arith.mulf %mul3A_449, %slice3A_447 : vector<256x64xf32>
      %tanh3A_451 = math.tanh %mul3A_450 : vector<256x64xf32>
      %mul3A_452 = arith.constant 5.000000e-01 : f32
      %mul3A_453 = vector.broadcast %mul3A_452 : f32 to vector<256x64xf32>
      %mul3A_454 = arith.mulf %mul3A_453, %tanh3A_451 : vector<256x64xf32>
      %add3A_455 = arith.constant 5.000000e-01 : f32
      %add3A_456 = vector.broadcast %add3A_455 : f32 to vector<256x64xf32>
      %add3A_457 = arith.addf %mul3A_454, %add3A_456 : vector<256x64xf32>
      %mul3A_458 = arith.mulf %add3A_457, %add3A_377 : vector<256x64xf32>
      %slice3A_459 = vector.extract_strided_slice %add3A_446 {offsets = [0, 0], sizes = [256, 64], strides = [1, 1]} : vector<256x256xf32> to vector<256x64xf32>
      %mul3A_460 = arith.constant 5.000000e-01 : f32
      %mul3A_461 = vector.broadcast %mul3A_460 : f32 to vector<256x64xf32>
      %mul3A_462 = arith.mulf %mul3A_461, %slice3A_459 : vector<256x64xf32>
      %tanh3A_463 = math.tanh %mul3A_462 : vector<256x64xf32>
      %mul3A_464 = arith.constant 5.000000e-01 : f32
      %mul3A_465 = vector.broadcast %mul3A_464 : f32 to vector<256x64xf32>
      %mul3A_466 = arith.mulf %mul3A_465, %tanh3A_463 : vector<256x64xf32>
      %add3A_467 = arith.constant 5.000000e-01 : f32
      %add3A_468 = vector.broadcast %add3A_467 : f32 to vector<256x64xf32>
      %add3A_469 = arith.addf %mul3A_466, %add3A_468 : vector<256x64xf32>
      %slice3A_470 = vector.extract_strided_slice %add3A_446 {offsets = [0, 128], sizes = [256, 64], strides = [1, 1]} : vector<256x256xf32> to vector<256x64xf32>
      %tanh3A_471 = math.tanh %slice3A_470 : vector<256x64xf32>
      %mul3A_472 = arith.mulf %add3A_469, %tanh3A_471 : vector<256x64xf32>
      %add3A_473 = arith.addf %mul3A_458, %mul3A_472 : vector<256x64xf32>
      %slice3A_474 = vector.extract_strided_slice %add3A_446 {offsets = [0, 192], sizes = [256, 64], strides = [1, 1]} : vector<256x256xf32> to vector<256x64xf32>
      %mul3A_475 = arith.constant 5.000000e-01 : f32
      %mul3A_476 = vector.broadcast %mul3A_475 : f32 to vector<256x64xf32>
      %mul3A_477 = arith.mulf %mul3A_476, %slice3A_474 : vector<256x64xf32>
      %tanh3A_478 = math.tanh %mul3A_477 : vector<256x64xf32>
      %mul3A_479 = arith.constant 5.000000e-01 : f32
      %mul3A_480 = vector.broadcast %mul3A_479 : f32 to vector<256x64xf32>
      %mul3A_481 = arith.mulf %mul3A_480, %tanh3A_478 : vector<256x64xf32>
      %add3A_482 = arith.constant 5.000000e-01 : f32
      %add3A_483 = vector.broadcast %add3A_482 : f32 to vector<256x64xf32>
      %add3A_484 = arith.addf %mul3A_481, %add3A_483 : vector<256x64xf32>
      %tanh3A_485 = math.tanh %add3A_473 : vector<256x64xf32>
      %mul3A_486 = arith.mulf %add3A_484, %tanh3A_485 : vector<256x64xf32>
      %get3A_487 = arith.constant 0 : index
      %get3A_488 = arith.constant 0 : index
      %get3A_489 = arith.constant 0 : index
      %get3A_490 = vector.load %arg8[%get3A_487, %get3A_488, %get3A_489] : memref<2x64x256xf32, #tpu.memory_space<vmem>>, vector<1x64x256xf32>
      %get3A_491 = vector.shape_cast %get3A_490 : vector<1x64x256xf32> to vector<64x256xf32>
      %dot_general3A_492 = arith.constant dense<0.000000e+00> : vector<256x256xf32>
      %dot_general3A_493 = tpu.matmul %mul3A_438, %get3A_491, %dot_general3A_492 {dimension_numbers = #tpu.dot_dimension_numbers<[1], [0], [0], [1], [0, 0, 1, 1], [], []>, transpose_lhs_hint = false} : vector<256x64xf32>, vector<64x256xf32>, vector<256x256xf32> -> vector<256x256xf32>
      %add3A_494 = arith.addf %add3A_153, %dot_general3A_493 : vector<256x256xf32>
      %slice3A_495 = vector.extract_strided_slice %add3A_494 {offsets = [0, 64], sizes = [256, 64], strides = [1, 1]} : vector<256x256xf32> to vector<256x64xf32>
      %mul3A_496 = arith.constant 5.000000e-01 : f32
      %mul3A_497 = vector.broadcast %mul3A_496 : f32 to vector<256x64xf32>
      %mul3A_498 = arith.mulf %mul3A_497, %slice3A_495 : vector<256x64xf32>
      %tanh3A_499 = math.tanh %mul3A_498 : vector<256x64xf32>
      %mul3A_500 = arith.constant 5.000000e-01 : f32
      %mul3A_501 = vector.broadcast %mul3A_500 : f32 to vector<256x64xf32>
      %mul3A_502 = arith.mulf %mul3A_501, %tanh3A_499 : vector<256x64xf32>
      %add3A_503 = arith.constant 5.000000e-01 : f32
      %add3A_504 = vector.broadcast %add3A_503 : f32 to vector<256x64xf32>
      %add3A_505 = arith.addf %mul3A_502, %add3A_504 : vector<256x64xf32>
      %mul3A_506 = arith.mulf %add3A_505, %add3A_425 : vector<256x64xf32>
      %slice3A_507 = vector.extract_strided_slice %add3A_494 {offsets = [0, 0], sizes = [256, 64], strides = [1, 1]} : vector<256x256xf32> to vector<256x64xf32>
      %mul3A_508 = arith.constant 5.000000e-01 : f32
      %mul3A_509 = vector.broadcast %mul3A_508 : f32 to vector<256x64xf32>
      %mul3A_510 = arith.mulf %mul3A_509, %slice3A_507 : vector<256x64xf32>
      %tanh3A_511 = math.tanh %mul3A_510 : vector<256x64xf32>
      %mul3A_512 = arith.constant 5.000000e-01 : f32
      %mul3A_513 = vector.broadcast %mul3A_512 : f32 to vector<256x64xf32>
      %mul3A_514 = arith.mulf %mul3A_513, %tanh3A_511 : vector<256x64xf32>
      %add3A_515 = arith.constant 5.000000e-01 : f32
      %add3A_516 = vector.broadcast %add3A_515 : f32 to vector<256x64xf32>
      %add3A_517 = arith.addf %mul3A_514, %add3A_516 : vector<256x64xf32>
      %slice3A_518 = vector.extract_strided_slice %add3A_494 {offsets = [0, 128], sizes = [256, 64], strides = [1, 1]} : vector<256x256xf32> to vector<256x64xf32>
      %tanh3A_519 = math.tanh %slice3A_518 : vector<256x64xf32>
      %mul3A_520 = arith.mulf %add3A_517, %tanh3A_519 : vector<256x64xf32>
      %add3A_521 = arith.addf %mul3A_506, %mul3A_520 : vector<256x64xf32>
      %slice3A_522 = vector.extract_strided_slice %add3A_494 {offsets = [0, 192], sizes = [256, 64], strides = [1, 1]} : vector<256x256xf32> to vector<256x64xf32>
      %mul3A_523 = arith.constant 5.000000e-01 : f32
      %mul3A_524 = vector.broadcast %mul3A_523 : f32 to vector<256x64xf32>
      %mul3A_525 = arith.mulf %mul3A_524, %slice3A_522 : vector<256x64xf32>
      %tanh3A_526 = math.tanh %mul3A_525 : vector<256x64xf32>
      %mul3A_527 = arith.constant 5.000000e-01 : f32
      %mul3A_528 = vector.broadcast %mul3A_527 : f32 to vector<256x64xf32>
      %mul3A_529 = arith.mulf %mul3A_528, %tanh3A_526 : vector<256x64xf32>
      %add3A_530 = arith.constant 5.000000e-01 : f32
      %add3A_531 = vector.broadcast %add3A_530 : f32 to vector<256x64xf32>
      %add3A_532 = arith.addf %mul3A_529, %add3A_531 : vector<256x64xf32>
      %tanh3A_533 = math.tanh %add3A_521 : vector<256x64xf32>
      %mul3A_534 = arith.mulf %add3A_532, %tanh3A_533 : vector<256x64xf32>
      %concatenate3A_535 = tpu.concatenate %mul3A_534, %mul3A_486 in 1 : vector<256x64xf32>, vector<256x64xf32> -> vector<256x128xf32>
      %dot_general3A_536 = arith.constant dense<0.000000e+00> : vector<256x256xf32>
      %dot_general3A_537 = tpu.matmul %concatenate3A_535, %concatenate3A, %dot_general3A_536 {dimension_numbers = #tpu.dot_dimension_numbers<[1], [0], [0], [1], [0, 0, 1, 1], [], []>, transpose_lhs_hint = false} : vector<256x128xf32>, vector<128x256xf32>, vector<256x256xf32> -> vector<256x256xf32>
      %get3A_538 = arith.constant 1 : index
      %get3A_539 = arith.constant 0 : index
      %get3A_540 = vector.load %arg9[%get3A_538, %get3A_539] : memref<2x256xf32, #tpu.memory_space<vmem>>, vector<1x256xf32>
      %add3A_541 = vector.broadcast %get3A_540 : vector<1x256xf32> to vector<256x256xf32>
      %add3A_542 = arith.addf %dot_general3A_537, %add3A_541 : vector<256x256xf32>
      %slice3A_543 = vector.extract_strided_slice %add3A_542 {offsets = [0, 64], sizes = [256, 64], strides = [1, 1]} : vector<256x256xf32> to vector<256x64xf32>
      %mul3A_544 = arith.constant 5.000000e-01 : f32
      %mul3A_545 = vector.broadcast %mul3A_544 : f32 to vector<256x64xf32>
      %mul3A_546 = arith.mulf %mul3A_545, %slice3A_543 : vector<256x64xf32>
      %tanh3A_547 = math.tanh %mul3A_546 : vector<256x64xf32>
      %mul3A_548 = arith.constant 5.000000e-01 : f32
      %mul3A_549 = vector.broadcast %mul3A_548 : f32 to vector<256x64xf32>
      %mul3A_550 = arith.mulf %mul3A_549, %tanh3A_547 : vector<256x64xf32>
      %add3A_551 = arith.constant 5.000000e-01 : f32
      %add3A_552 = vector.broadcast %add3A_551 : f32 to vector<256x64xf32>
      %add3A_553 = arith.addf %mul3A_550, %add3A_552 : vector<256x64xf32>
      %mul3A_554 = arith.mulf %add3A_553, %add3A_473 : vector<256x64xf32>
      %slice3A_555 = vector.extract_strided_slice %add3A_542 {offsets = [0, 0], sizes = [256, 64], strides = [1, 1]} : vector<256x256xf32> to vector<256x64xf32>
      %mul3A_556 = arith.constant 5.000000e-01 : f32
      %mul3A_557 = vector.broadcast %mul3A_556 : f32 to vector<256x64xf32>
      %mul3A_558 = arith.mulf %mul3A_557, %slice3A_555 : vector<256x64xf32>
      %tanh3A_559 = math.tanh %mul3A_558 : vector<256x64xf32>
      %mul3A_560 = arith.constant 5.000000e-01 : f32
      %mul3A_561 = vector.broadcast %mul3A_560 : f32 to vector<256x64xf32>
      %mul3A_562 = arith.mulf %mul3A_561, %tanh3A_559 : vector<256x64xf32>
      %add3A_563 = arith.constant 5.000000e-01 : f32
      %add3A_564 = vector.broadcast %add3A_563 : f32 to vector<256x64xf32>
      %add3A_565 = arith.addf %mul3A_562, %add3A_564 : vector<256x64xf32>
      %slice3A_566 = vector.extract_strided_slice %add3A_542 {offsets = [0, 128], sizes = [256, 64], strides = [1, 1]} : vector<256x256xf32> to vector<256x64xf32>
      %tanh3A_567 = math.tanh %slice3A_566 : vector<256x64xf32>
      %mul3A_568 = arith.mulf %add3A_565, %tanh3A_567 : vector<256x64xf32>
      %add3A_569 = arith.addf %mul3A_554, %mul3A_568 : vector<256x64xf32>
      %slice3A_570 = vector.extract_strided_slice %add3A_542 {offsets = [0, 192], sizes = [256, 64], strides = [1, 1]} : vector<256x256xf32> to vector<256x64xf32>
      %mul3A_571 = arith.constant 5.000000e-01 : f32
      %mul3A_572 = vector.broadcast %mul3A_571 : f32 to vector<256x64xf32>
      %mul3A_573 = arith.mulf %mul3A_572, %slice3A_570 : vector<256x64xf32>
      %tanh3A_574 = math.tanh %mul3A_573 : vector<256x64xf32>
      %mul3A_575 = arith.constant 5.000000e-01 : f32
      %mul3A_576 = vector.broadcast %mul3A_575 : f32 to vector<256x64xf32>
      %mul3A_577 = arith.mulf %mul3A_576, %tanh3A_574 : vector<256x64xf32>
      %add3A_578 = arith.constant 5.000000e-01 : f32
      %add3A_579 = vector.broadcast %add3A_578 : f32 to vector<256x64xf32>
      %add3A_580 = arith.addf %mul3A_577, %add3A_579 : vector<256x64xf32>
      %tanh3A_581 = math.tanh %add3A_569 : vector<256x64xf32>
      %mul3A_582 = arith.mulf %add3A_580, %tanh3A_581 : vector<256x64xf32>
      %concatenate3A_583 = tpu.concatenate %add3A_521, %mul3A_534, %add3A_569, %mul3A_582 in 1 : vector<256x64xf32>, vector<256x64xf32>, vector<256x64xf32>, vector<256x64xf32> -> vector<256x256xf32>
      %broadcast_in_dim3A_584 = vector.shape_cast %eq3A_100 : vector<256x1xi1> to vector<256x1xi1>
      %broadcast_in_dim3A_585 = vector.broadcast %broadcast_in_dim3A_584 : vector<256x1xi1> to vector<256x256xi1>
      %select_n3A_586 = arith.select %broadcast_in_dim3A_585, %while3A_195, %concatenate3A_583 : vector<256x256xi1>, vector<256x256xf32>
      %get3A_587 = arith.constant 0 : index
      %get3A_588 = arith.constant 0 : index
      %get3A_589 = vector.load %arg10[%get3A_587, %get3A_588] : memref<256x1xf32, #tpu.memory_space<vmem>>, vector<256x1xf32>
      %dot_general3A_590 = arith.constant dense<0.000000e+00> : vector<256x1xf32>
      %dot_general3A_591 = tpu.matmul %select_n3A_586, %get3A_589, %dot_general3A_590 {dimension_numbers = #tpu.dot_dimension_numbers<[1], [0], [0], [1], [0, 0, 1, 1], [], []>, transpose_lhs_hint = false} : vector<256x256xf32>, vector<256x1xf32>, vector<256x1xf32> -> vector<256x1xf32>
      %get3A_592 = arith.constant 0 : index
      %get3A_593 = arith.constant 0 : index
      %get3A_594 = vector.load %arg11[%get3A_592, %get3A_593] : memref<1x1xf32, #tpu.memory_space<vmem>>, vector<1x1xf32>
      %add3A_595 = vector.broadcast %get3A_594 : vector<1x1xf32> to vector<256x1xf32>
      %add3A_596 = arith.addf %dot_general3A_591, %add3A_595 : vector<256x1xf32>
      %mul3A_597 = arith.constant 5.000000e-01 : f32
      %mul3A_598 = vector.broadcast %mul3A_597 : f32 to vector<256x1xf32>
      %mul3A_599 = arith.mulf %mul3A_598, %add3A_596 : vector<256x1xf32>
      %tanh3A_600 = math.tanh %mul3A_599 : vector<256x1xf32>
      %mul3A_601 = arith.constant 5.000000e-01 : f32
      %mul3A_602 = vector.broadcast %mul3A_601 : f32 to vector<256x1xf32>
      %mul3A_603 = arith.mulf %mul3A_602, %tanh3A_600 : vector<256x1xf32>
      %add3A_604 = arith.constant 5.000000e-01 : f32
      %add3A_605 = vector.broadcast %add3A_604 : f32 to vector<256x1xf32>
      %add3A_606 = arith.addf %mul3A_603, %add3A_605 : vector<256x1xf32>
      %sub3A = arith.constant 1.000000e+00 : f32
      %sub3A_607 = vector.broadcast %sub3A : f32 to vector<256x1xf32>
      %sub3A_608 = arith.subf %sub3A_607, %add3A_606 : vector<256x1xf32>
      %mul3A_609 = vector.broadcast %add3A_606 : vector<256x1xf32> to vector<256x256xf32>
      %mul3A_610 = arith.mulf %mul3A_609, %convert_element_type3A_94 : vector<256x256xf32>
      %mul3A_611 = vector.broadcast %sub3A_608 : vector<256x1xf32> to vector<256x256xf32>
      %mul3A_612 = arith.mulf %mul3A_611, %convert_element_type3A_98 : vector<256x256xf32>
      %add3A_613 = arith.addf %mul3A_610, %mul3A_612 : vector<256x256xf32>
      %mul3A_614 = vector.broadcast %while3A_196 : vector<256x1xf32> to vector<256x256xf32>
      %mul3A_615 = arith.mulf %select_n3A_586, %mul3A_614 : vector<256x256xf32>
      %dot_general3A_616 = arith.constant dense<0.000000e+00> : vector<256x256xf32>
      %dot_general3A_617 = tpu.matmul %add3A_613, %mul3A_615, %dot_general3A_616 {dimension_numbers = #tpu.dot_dimension_numbers<[0], [0], [1], [1], [0, 1, 1, 1], [], []>, transpose_lhs_hint = false} : vector<256x256xf32>, vector<256x256xf32>, vector<256x256xf32> -> vector<256x256xf32>
      %dot_general3A_618 = arith.constant dense<0.000000e+00> : vector<256x1xf32>
      %dot_general3A_619 = tpu.matmul %add3A_613, %while3A_196, %dot_general3A_618 {dimension_numbers = #tpu.dot_dimension_numbers<[0], [0], [1], [1], [0, 1, 1, 1], [], []>, transpose_lhs_hint = false} : vector<256x256xf32>, vector<256x1xf32>, vector<256x1xf32> -> vector<256x1xf32>
      %add3A_620 = arith.constant 1.000000e-07 : f32
      %add3A_621 = vector.broadcast %add3A_620 : f32 to vector<256x1xf32>
      %add3A_622 = arith.addf %dot_general3A_619, %add3A_621 : vector<256x1xf32>
      %div3A = vector.broadcast %add3A_622 : vector<256x1xf32> to vector<256x256xf32>
      %div3A_623 = arith.divf %dot_general3A_617, %div3A : vector<256x256xf32>
      scf.yield %div3A_623, %dot_general3A_619 : vector<256x256xf32>, vector<256x1xf32>
    }
    %while3A_172 = arith.constant 1 : i32
    %while3A_173:2 = scf.for %while3A_194 = %while3A_169 to %while3A_165 step %while3A_172 iter_args(%while3A_195 = %while3A_171#0, %while3A_196 = %while3A_171#1) -> (vector<256x256xf32>, vector<256x1xf32>)  : i32 {
      %slice3A_197 = vector.extract_strided_slice %while3A_195 {offsets = [0, 0], sizes = [256, 64], strides = [1, 1]} : vector<256x256xf32> to vector<256x64xf32>
      %slice3A_198 = vector.extract_strided_slice %while3A_195 {offsets = [0, 64], sizes = [256, 64], strides = [1, 1]} : vector<256x256xf32> to vector<256x64xf32>
      %slice3A_199 = vector.extract_strided_slice %while3A_195 {offsets = [0, 128], sizes = [256, 64], strides = [1, 1]} : vector<256x256xf32> to vector<256x64xf32>
      %slice3A_200 = vector.extract_strided_slice %while3A_195 {offsets = [0, 192], sizes = [256, 64], strides = [1, 1]} : vector<256x256xf32> to vector<256x64xf32>
      %get3A_201 = arith.constant 0 : index
      %get3A_202 = arith.constant 0 : index
      %get3A_203 = arith.constant 0 : index
      %get3A_204 = vector.load %arg8[%get3A_201, %get3A_202, %get3A_203] : memref<2x64x256xf32, #tpu.memory_space<vmem>>, vector<1x64x256xf32>
      %get3A_205 = vector.shape_cast %get3A_204 : vector<1x64x256xf32> to vector<64x256xf32>
      %dot_general3A_206 = arith.constant dense<0.000000e+00> : vector<256x256xf32>
      %dot_general3A_207 = tpu.matmul %slice3A_198, %get3A_205, %dot_general3A_206 {dimension_numbers = #tpu.dot_dimension_numbers<[1], [0], [0], [1], [0, 0, 1, 1], [], []>, transpose_lhs_hint = false} : vector<256x64xf32>, vector<64x256xf32>, vector<256x256xf32> -> vector<256x256xf32>
      %add3A_208 = arith.addf %add3A_117, %dot_general3A_207 : vector<256x256xf32>
      %slice3A_209 = vector.extract_strided_slice %add3A_208 {offsets = [0, 64], sizes = [256, 64], strides = [1, 1]} : vector<256x256xf32> to vector<256x64xf32>
      %mul3A = arith.constant 5.000000e-01 : f32
      %mul3A_210 = vector.broadcast %mul3A : f32 to vector<256x64xf32>
      %mul3A_211 = arith.mulf %mul3A_210, %slice3A_209 : vector<256x64xf32>
      %tanh3A = math.tanh %mul3A_211 : vector<256x64xf32>
      %mul3A_212 = arith.constant 5.000000e-01 : f32
      %mul3A_213 = vector.broadcast %mul3A_212 : f32 to vector<256x64xf32>
      %mul3A_214 = arith.mulf %mul3A_213, %tanh3A : vector<256x64xf32>
      %add3A_215 = arith.constant 5.000000e-01 : f32
      %add3A_216 = vector.broadcast %add3A_215 : f32 to vector<256x64xf32>
      %add3A_217 = arith.addf %mul3A_214, %add3A_216 : vector<256x64xf32>
      %mul3A_218 = arith.mulf %add3A_217, %slice3A_197 : vector<256x64xf32>
      %slice3A_219 = vector.extract_strided_slice %add3A_208 {offsets = [0, 0], sizes = [256, 64], strides = [1, 1]} : vector<256x256xf32> to vector<256x64xf32>
      %mul3A_220 = arith.constant 5.000000e-01 : f32
      %mul3A_221 = vector.broadcast %mul3A_220 : f32 to vector<256x64xf32>
      %mul3A_222 = arith.mulf %mul3A_221, %slice3A_219 : vector<256x64xf32>
      %tanh3A_223 = math.tanh %mul3A_222 : vector<256x64xf32>
      %mul3A_224 = arith.constant 5.000000e-01 : f32
      %mul3A_225 = vector.broadcast %mul3A_224 : f32 to vector<256x64xf32>
      %mul3A_226 = arith.mulf %mul3A_225, %tanh3A_223 : vector<256x64xf32>
      %add3A_227 = arith.constant 5.000000e-01 : f32
      %add3A_228 = vector.broadcast %add3A_227 : f32 to vector<256x64xf32>
      %add3A_229 = arith.addf %mul3A_226, %add3A_228 : vector<256x64xf32>
      %slice3A_230 = vector.extract_strided_slice %add3A_208 {offsets = [0, 128], sizes = [256, 64], strides = [1, 1]} : vector<256x256xf32> to vector<256x64xf32>
      %tanh3A_231 = math.tanh %slice3A_230 : vector<256x64xf32>
      %mul3A_232 = arith.mulf %add3A_229, %tanh3A_231 : vector<256x64xf32>
      %add3A_233 = arith.addf %mul3A_218, %mul3A_232 : vector<256x64xf32>
      %slice3A_234 = vector.extract_strided_slice %add3A_208 {offsets = [0, 192], sizes = [256, 64], strides = [1, 1]} : vector<256x256xf32> to vector<256x64xf32>
      %mul3A_235 = arith.constant 5.000000e-01 : f32
      %mul3A_236 = vector.broadcast %mul3A_235 : f32 to vector<256x64xf32>
      %mul3A_237 = arith.mulf %mul3A_236, %slice3A_234 : vector<256x64xf32>
      %tanh3A_238 = math.tanh %mul3A_237 : vector<256x64xf32>
      %mul3A_239 = arith.constant 5.000000e-01 : f32
      %mul3A_240 = vector.broadcast %mul3A_239 : f32 to vector<256x64xf32>
      %mul3A_241 = arith.mulf %mul3A_240, %tanh3A_238 : vector<256x64xf32>
      %add3A_242 = arith.constant 5.000000e-01 : f32
      %add3A_243 = vector.broadcast %add3A_242 : f32 to vector<256x64xf32>
      %add3A_244 = arith.addf %mul3A_241, %add3A_243 : vector<256x64xf32>
      %tanh3A_245 = math.tanh %add3A_233 : vector<256x64xf32>
      %mul3A_246 = arith.mulf %add3A_244, %tanh3A_245 : vector<256x64xf32>
      %concatenate3A_247 = tpu.concatenate %mul3A_246, %slice3A_200 in 1 : vector<256x64xf32>, vector<256x64xf32> -> vector<256x128xf32>
      %dot_general3A_248 = arith.constant dense<0.000000e+00> : vector<256x256xf32>
      %dot_general3A_249 = tpu.matmul %concatenate3A_247, %concatenate3A, %dot_general3A_248 {dimension_numbers = #tpu.dot_dimension_numbers<[1], [0], [0], [1], [0, 0, 1, 1], [], []>, transpose_lhs_hint = false} : vector<256x128xf32>, vector<128x256xf32>, vector<256x256xf32> -> vector<256x256xf32>
      %get3A_250 = arith.constant 1 : index
      %get3A_251 = arith.constant 0 : index
      %get3A_252 = vector.load %arg9[%get3A_250, %get3A_251] : memref<2x256xf32, #tpu.memory_space<vmem>>, vector<1x256xf32>
      %add3A_253 = vector.broadcast %get3A_252 : vector<1x256xf32> to vector<256x256xf32>
      %add3A_254 = arith.addf %dot_general3A_249, %add3A_253 : vector<256x256xf32>
      %slice3A_255 = vector.extract_strided_slice %add3A_254 {offsets = [0, 64], sizes = [256, 64], strides = [1, 1]} : vector<256x256xf32> to vector<256x64xf32>
      %mul3A_256 = arith.constant 5.000000e-01 : f32
      %mul3A_257 = vector.broadcast %mul3A_256 : f32 to vector<256x64xf32>
      %mul3A_258 = arith.mulf %mul3A_257, %slice3A_255 : vector<256x64xf32>
      %tanh3A_259 = math.tanh %mul3A_258 : vector<256x64xf32>
      %mul3A_260 = arith.constant 5.000000e-01 : f32
      %mul3A_261 = vector.broadcast %mul3A_260 : f32 to vector<256x64xf32>
      %mul3A_262 = arith.mulf %mul3A_261, %tanh3A_259 : vector<256x64xf32>
      %add3A_263 = arith.constant 5.000000e-01 : f32
      %add3A_264 = vector.broadcast %add3A_263 : f32 to vector<256x64xf32>
      %add3A_265 = arith.addf %mul3A_262, %add3A_264 : vector<256x64xf32>
      %mul3A_266 = arith.mulf %add3A_265, %slice3A_199 : vector<256x64xf32>
      %slice3A_267 = vector.extract_strided_slice %add3A_254 {offsets = [0, 0], sizes = [256, 64], strides = [1, 1]} : vector<256x256xf32> to vector<256x64xf32>
      %mul3A_268 = arith.constant 5.000000e-01 : f32
      %mul3A_269 = vector.broadcast %mul3A_268 : f32 to vector<256x64xf32>
      %mul3A_270 = arith.mulf %mul3A_269, %slice3A_267 : vector<256x64xf32>
      %tanh3A_271 = math.tanh %mul3A_270 : vector<256x64xf32>
      %mul3A_272 = arith.constant 5.000000e-01 : f32
      %mul3A_273 = vector.broadcast %mul3A_272 : f32 to vector<256x64xf32>
      %mul3A_274 = arith.mulf %mul3A_273, %tanh3A_271 : vector<256x64xf32>
      %add3A_275 = arith.constant 5.000000e-01 : f32
      %add3A_276 = vector.broadcast %add3A_275 : f32 to vector<256x64xf32>
      %add3A_277 = arith.addf %mul3A_274, %add3A_276 : vector<256x64xf32>
      %slice3A_278 = vector.extract_strided_slice %add3A_254 {offsets = [0, 128], sizes = [256, 64], strides = [1, 1]} : vector<256x256xf32> to vector<256x64xf32>
      %tanh3A_279 = math.tanh %slice3A_278 : vector<256x64xf32>
      %mul3A_280 = arith.mulf %add3A_277, %tanh3A_279 : vector<256x64xf32>
      %add3A_281 = arith.addf %mul3A_266, %mul3A_280 : vector<256x64xf32>
      %slice3A_282 = vector.extract_strided_slice %add3A_254 {offsets = [0, 192], sizes = [256, 64], strides = [1, 1]} : vector<256x256xf32> to vector<256x64xf32>
      %mul3A_283 = arith.constant 5.000000e-01 : f32
      %mul3A_284 = vector.broadcast %mul3A_283 : f32 to vector<256x64xf32>
      %mul3A_285 = arith.mulf %mul3A_284, %slice3A_282 : vector<256x64xf32>
      %tanh3A_286 = math.tanh %mul3A_285 : vector<256x64xf32>
      %mul3A_287 = arith.constant 5.000000e-01 : f32
      %mul3A_288 = vector.broadcast %mul3A_287 : f32 to vector<256x64xf32>
      %mul3A_289 = arith.mulf %mul3A_288, %tanh3A_286 : vector<256x64xf32>
      %add3A_290 = arith.constant 5.000000e-01 : f32
      %add3A_291 = vector.broadcast %add3A_290 : f32 to vector<256x64xf32>
      %add3A_292 = arith.addf %mul3A_289, %add3A_291 : vector<256x64xf32>
      %tanh3A_293 = math.tanh %add3A_281 : vector<256x64xf32>
      %mul3A_294 = arith.mulf %add3A_292, %tanh3A_293 : vector<256x64xf32>
      %get3A_295 = arith.constant 0 : index
      %get3A_296 = arith.constant 0 : index
      %get3A_297 = arith.constant 0 : index
      %get3A_298 = vector.load %arg8[%get3A_295, %get3A_296, %get3A_297] : memref<2x64x256xf32, #tpu.memory_space<vmem>>, vector<1x64x256xf32>
      %get3A_299 = vector.shape_cast %get3A_298 : vector<1x64x256xf32> to vector<64x256xf32>
      %dot_general3A_300 = arith.constant dense<0.000000e+00> : vector<256x256xf32>
      %dot_general3A_301 = tpu.matmul %mul3A_246, %get3A_299, %dot_general3A_300 {dimension_numbers = #tpu.dot_dimension_numbers<[1], [0], [0], [1], [0, 0, 1, 1], [], []>, transpose_lhs_hint = false} : vector<256x64xf32>, vector<64x256xf32>, vector<256x256xf32> -> vector<256x256xf32>
      %add3A_302 = arith.addf %add3A_129, %dot_general3A_301 : vector<256x256xf32>
      %slice3A_303 = vector.extract_strided_slice %add3A_302 {offsets = [0, 64], sizes = [256, 64], strides = [1, 1]} : vector<256x256xf32> to vector<256x64xf32>
      %mul3A_304 = arith.constant 5.000000e-01 : f32
      %mul3A_305 = vector.broadcast %mul3A_304 : f32 to vector<256x64xf32>
      %mul3A_306 = arith.mulf %mul3A_305, %slice3A_303 : vector<256x64xf32>
      %tanh3A_307 = math.tanh %mul3A_306 : vector<256x64xf32>
      %mul3A_308 = arith.constant 5.000000e-01 : f32
      %mul3A_309 = vector.broadcast %mul3A_308 : f32 to vector<256x64xf32>
      %mul3A_310 = arith.mulf %mul3A_309, %tanh3A_307 : vector<256x64xf32>
      %add3A_311 = arith.constant 5.000000e-01 : f32
      %add3A_312 = vector.broadcast %add3A_311 : f32 to vector<256x64xf32>
      %add3A_313 = arith.addf %mul3A_310, %add3A_312 : vector<256x64xf32>
      %mul3A_314 = arith.mulf %add3A_313, %add3A_233 : vector<256x64xf32>
      %slice3A_315 = vector.extract_strided_slice %add3A_302 {offsets = [0, 0], sizes = [256, 64], strides = [1, 1]} : vector<256x256xf32> to vector<256x64xf32>
      %mul3A_316 = arith.constant 5.000000e-01 : f32
      %mul3A_317 = vector.broadcast %mul3A_316 : f32 to vector<256x64xf32>
      %mul3A_318 = arith.mulf %mul3A_317, %slice3A_315 : vector<256x64xf32>
      %tanh3A_319 = math.tanh %mul3A_318 : vector<256x64xf32>
      %mul3A_320 = arith.constant 5.000000e-01 : f32
      %mul3A_321 = vector.broadcast %mul3A_320 : f32 to vector<256x64xf32>
      %mul3A_322 = arith.mulf %mul3A_321, %tanh3A_319 : vector<256x64xf32>
      %add3A_323 = arith.constant 5.000000e-01 : f32
      %add3A_324 = vector.broadcast %add3A_323 : f32 to vector<256x64xf32>
      %add3A_325 = arith.addf %mul3A_322, %add3A_324 : vector<256x64xf32>
      %slice3A_326 = vector.extract_strided_slice %add3A_302 {offsets = [0, 128], sizes = [256, 64], strides = [1, 1]} : vector<256x256xf32> to vector<256x64xf32>
      %tanh3A_327 = math.tanh %slice3A_326 : vector<256x64xf32>
      %mul3A_328 = arith.mulf %add3A_325, %tanh3A_327 : vector<256x64xf32>
      %add3A_329 = arith.addf %mul3A_314, %mul3A_328 : vector<256x64xf32>
      %slice3A_330 = vector.extract_strided_slice %add3A_302 {offsets = [0, 192], sizes = [256, 64], strides = [1, 1]} : vector<256x256xf32> to vector<256x64xf32>
      %mul3A_331 = arith.constant 5.000000e-01 : f32
      %mul3A_332 = vector.broadcast %mul3A_331 : f32 to vector<256x64xf32>
      %mul3A_333 = arith.mulf %mul3A_332, %slice3A_330 : vector<256x64xf32>
      %tanh3A_334 = math.tanh %mul3A_333 : vector<256x64xf32>
      %mul3A_335 = arith.constant 5.000000e-01 : f32
      %mul3A_336 = vector.broadcast %mul3A_335 : f32 to vector<256x64xf32>
      %mul3A_337 = arith.mulf %mul3A_336, %tanh3A_334 : vector<256x64xf32>
      %add3A_338 = arith.constant 5.000000e-01 : f32
      %add3A_339 = vector.broadcast %add3A_338 : f32 to vector<256x64xf32>
      %add3A_340 = arith.addf %mul3A_337, %add3A_339 : vector<256x64xf32>
      %tanh3A_341 = math.tanh %add3A_329 : vector<256x64xf32>
      %mul3A_342 = arith.mulf %add3A_340, %tanh3A_341 : vector<256x64xf32>
      %concatenate3A_343 = tpu.concatenate %mul3A_342, %mul3A_294 in 1 : vector<256x64xf32>, vector<256x64xf32> -> vector<256x128xf32>
      %dot_general3A_344 = arith.constant dense<0.000000e+00> : vector<256x256xf32>
      %dot_general3A_345 = tpu.matmul %concatenate3A_343, %concatenate3A, %dot_general3A_344 {dimension_numbers = #tpu.dot_dimension_numbers<[1], [0], [0], [1], [0, 0, 1, 1], [], []>, transpose_lhs_hint = false} : vector<256x128xf32>, vector<128x256xf32>, vector<256x256xf32> -> vector<256x256xf32>
      %get3A_346 = arith.constant 1 : index
      %get3A_347 = arith.constant 0 : index
      %get3A_348 = vector.load %arg9[%get3A_346, %get3A_347] : memref<2x256xf32, #tpu.memory_space<vmem>>, vector<1x256xf32>
      %add3A_349 = vector.broadcast %get3A_348 : vector<1x256xf32> to vector<256x256xf32>
      %add3A_350 = arith.addf %dot_general3A_345, %add3A_349 : vector<256x256xf32>
      %slice3A_351 = vector.extract_strided_slice %add3A_350 {offsets = [0, 64], sizes = [256, 64], strides = [1, 1]} : vector<256x256xf32> to vector<256x64xf32>
      %mul3A_352 = arith.constant 5.000000e-01 : f32
      %mul3A_353 = vector.broadcast %mul3A_352 : f32 to vector<256x64xf32>
      %mul3A_354 = arith.mulf %mul3A_353, %slice3A_351 : vector<256x64xf32>
      %tanh3A_355 = math.tanh %mul3A_354 : vector<256x64xf32>
      %mul3A_356 = arith.constant 5.000000e-01 : f32
      %mul3A_357 = vector.broadcast %mul3A_356 : f32 to vector<256x64xf32>
      %mul3A_358 = arith.mulf %mul3A_357, %tanh3A_355 : vector<256x64xf32>
      %add3A_359 = arith.constant 5.000000e-01 : f32
      %add3A_360 = vector.broadcast %add3A_359 : f32 to vector<256x64xf32>
      %add3A_361 = arith.addf %mul3A_358, %add3A_360 : vector<256x64xf32>
      %mul3A_362 = arith.mulf %add3A_361, %add3A_281 : vector<256x64xf32>
      %slice3A_363 = vector.extract_strided_slice %add3A_350 {offsets = [0, 0], sizes = [256, 64], strides = [1, 1]} : vector<256x256xf32> to vector<256x64xf32>
      %mul3A_364 = arith.constant 5.000000e-01 : f32
      %mul3A_365 = vector.broadcast %mul3A_364 : f32 to vector<256x64xf32>
      %mul3A_366 = arith.mulf %mul3A_365, %slice3A_363 : vector<256x64xf32>
      %tanh3A_367 = math.tanh %mul3A_366 : vector<256x64xf32>
      %mul3A_368 = arith.constant 5.000000e-01 : f32
      %mul3A_369 = vector.broadcast %mul3A_368 : f32 to vector<256x64xf32>
      %mul3A_370 = arith.mulf %mul3A_369, %tanh3A_367 : vector<256x64xf32>
      %add3A_371 = arith.constant 5.000000e-01 : f32
      %add3A_372 = vector.broadcast %add3A_371 : f32 to vector<256x64xf32>
      %add3A_373 = arith.addf %mul3A_370, %add3A_372 : vector<256x64xf32>
      %slice3A_374 = vector.extract_strided_slice %add3A_350 {offsets = [0, 128], sizes = [256, 64], strides = [1, 1]} : vector<256x256xf32> to vector<256x64xf32>
      %tanh3A_375 = math.tanh %slice3A_374 : vector<256x64xf32>
      %mul3A_376 = arith.mulf %add3A_373, %tanh3A_375 : vector<256x64xf32>
      %add3A_377 = arith.addf %mul3A_362, %mul3A_376 : vector<256x64xf32>
      %slice3A_378 = vector.extract_strided_slice %add3A_350 {offsets = [0, 192], sizes = [256, 64], strides = [1, 1]} : vector<256x256xf32> to vector<256x64xf32>
      %mul3A_379 = arith.constant 5.000000e-01 : f32
      %mul3A_380 = vector.broadcast %mul3A_379 : f32 to vector<256x64xf32>
      %mul3A_381 = arith.mulf %mul3A_380, %slice3A_378 : vector<256x64xf32>
      %tanh3A_382 = math.tanh %mul3A_381 : vector<256x64xf32>
      %mul3A_383 = arith.constant 5.000000e-01 : f32
      %mul3A_384 = vector.broadcast %mul3A_383 : f32 to vector<256x64xf32>
      %mul3A_385 = arith.mulf %mul3A_384, %tanh3A_382 : vector<256x64xf32>
      %add3A_386 = arith.constant 5.000000e-01 : f32
      %add3A_387 = vector.broadcast %add3A_386 : f32 to vector<256x64xf32>
      %add3A_388 = arith.addf %mul3A_385, %add3A_387 : vector<256x64xf32>
      %tanh3A_389 = math.tanh %add3A_377 : vector<256x64xf32>
      %mul3A_390 = arith.mulf %add3A_388, %tanh3A_389 : vector<256x64xf32>
      %get3A_391 = arith.constant 0 : index
      %get3A_392 = arith.constant 0 : index
      %get3A_393 = arith.constant 0 : index
      %get3A_394 = vector.load %arg8[%get3A_391, %get3A_392, %get3A_393] : memref<2x64x256xf32, #tpu.memory_space<vmem>>, vector<1x64x256xf32>
      %get3A_395 = vector.shape_cast %get3A_394 : vector<1x64x256xf32> to vector<64x256xf32>
      %dot_general3A_396 = arith.constant dense<0.000000e+00> : vector<256x256xf32>
      %dot_general3A_397 = tpu.matmul %mul3A_342, %get3A_395, %dot_general3A_396 {dimension_numbers = #tpu.dot_dimension_numbers<[1], [0], [0], [1], [0, 0, 1, 1], [], []>, transpose_lhs_hint = false} : vector<256x64xf32>, vector<64x256xf32>, vector<256x256xf32> -> vector<256x256xf32>
      %add3A_398 = arith.addf %add3A_141, %dot_general3A_397 : vector<256x256xf32>
      %slice3A_399 = vector.extract_strided_slice %add3A_398 {offsets = [0, 64], sizes = [256, 64], strides = [1, 1]} : vector<256x256xf32> to vector<256x64xf32>
      %mul3A_400 = arith.constant 5.000000e-01 : f32
      %mul3A_401 = vector.broadcast %mul3A_400 : f32 to vector<256x64xf32>
      %mul3A_402 = arith.mulf %mul3A_401, %slice3A_399 : vector<256x64xf32>
      %tanh3A_403 = math.tanh %mul3A_402 : vector<256x64xf32>
      %mul3A_404 = arith.constant 5.000000e-01 : f32
      %mul3A_405 = vector.broadcast %mul3A_404 : f32 to vector<256x64xf32>
      %mul3A_406 = arith.mulf %mul3A_405, %tanh3A_403 : vector<256x64xf32>
      %add3A_407 = arith.constant 5.000000e-01 : f32
      %add3A_408 = vector.broadcast %add3A_407 : f32 to vector<256x64xf32>
      %add3A_409 = arith.addf %mul3A_406, %add3A_408 : vector<256x64xf32>
      %mul3A_410 = arith.mulf %add3A_409, %add3A_329 : vector<256x64xf32>
      %slice3A_411 = vector.extract_strided_slice %add3A_398 {offsets = [0, 0], sizes = [256, 64], strides = [1, 1]} : vector<256x256xf32> to vector<256x64xf32>
      %mul3A_412 = arith.constant 5.000000e-01 : f32
      %mul3A_413 = vector.broadcast %mul3A_412 : f32 to vector<256x64xf32>
      %mul3A_414 = arith.mulf %mul3A_413, %slice3A_411 : vector<256x64xf32>
      %tanh3A_415 = math.tanh %mul3A_414 : vector<256x64xf32>
      %mul3A_416 = arith.constant 5.000000e-01 : f32
      %mul3A_417 = vector.broadcast %mul3A_416 : f32 to vector<256x64xf32>
      %mul3A_418 = arith.mulf %mul3A_417, %tanh3A_415 : vector<256x64xf32>
      %add3A_419 = arith.constant 5.000000e-01 : f32
      %add3A_420 = vector.broadcast %add3A_419 : f32 to vector<256x64xf32>
      %add3A_421 = arith.addf %mul3A_418, %add3A_420 : vector<256x64xf32>
      %slice3A_422 = vector.extract_strided_slice %add3A_398 {offsets = [0, 128], sizes = [256, 64], strides = [1, 1]} : vector<256x256xf32> to vector<256x64xf32>
      %tanh3A_423 = math.tanh %slice3A_422 : vector<256x64xf32>
      %mul3A_424 = arith.mulf %add3A_421, %tanh3A_423 : vector<256x64xf32>
      %add3A_425 = arith.addf %mul3A_410, %mul3A_424 : vector<256x64xf32>
      %slice3A_426 = vector.extract_strided_slice %add3A_398 {offsets = [0, 192], sizes = [256, 64], strides = [1, 1]} : vector<256x256xf32> to vector<256x64xf32>
      %mul3A_427 = arith.constant 5.000000e-01 : f32
      %mul3A_428 = vector.broadcast %mul3A_427 : f32 to vector<256x64xf32>
      %mul3A_429 = arith.mulf %mul3A_428, %slice3A_426 : vector<256x64xf32>
      %tanh3A_430 = math.tanh %mul3A_429 : vector<256x64xf32>
      %mul3A_431 = arith.constant 5.000000e-01 : f32
      %mul3A_432 = vector.broadcast %mul3A_431 : f32 to vector<256x64xf32>
      %mul3A_433 = arith.mulf %mul3A_432, %tanh3A_430 : vector<256x64xf32>
      %add3A_434 = arith.constant 5.000000e-01 : f32
      %add3A_435 = vector.broadcast %add3A_434 : f32 to vector<256x64xf32>
      %add3A_436 = arith.addf %mul3A_433, %add3A_435 : vector<256x64xf32>
      %tanh3A_437 = math.tanh %add3A_425 : vector<256x64xf32>
      %mul3A_438 = arith.mulf %add3A_436, %tanh3A_437 : vector<256x64xf32>
      %concatenate3A_439 = tpu.concatenate %mul3A_438, %mul3A_390 in 1 : vector<256x64xf32>, vector<256x64xf32> -> vector<256x128xf32>
      %dot_general3A_440 = arith.constant dense<0.000000e+00> : vector<256x256xf32>
      %dot_general3A_441 = tpu.matmul %concatenate3A_439, %concatenate3A, %dot_general3A_440 {dimension_numbers = #tpu.dot_dimension_numbers<[1], [0], [0], [1], [0, 0, 1, 1], [], []>, transpose_lhs_hint = false} : vector<256x128xf32>, vector<128x256xf32>, vector<256x256xf32> -> vector<256x256xf32>
      %get3A_442 = arith.constant 1 : index
      %get3A_443 = arith.constant 0 : index
      %get3A_444 = vector.load %arg9[%get3A_442, %get3A_443] : memref<2x256xf32, #tpu.memory_space<vmem>>, vector<1x256xf32>
      %add3A_445 = vector.broadcast %get3A_444 : vector<1x256xf32> to vector<256x256xf32>
      %add3A_446 = arith.addf %dot_general3A_441, %add3A_445 : vector<256x256xf32>
      %slice3A_447 = vector.extract_strided_slice %add3A_446 {offsets = [0, 64], sizes = [256, 64], strides = [1, 1]} : vector<256x256xf32> to vector<256x64xf32>
      %mul3A_448 = arith.constant 5.000000e-01 : f32
      %mul3A_449 = vector.broadcast %mul3A_448 : f32 to vector<256x64xf32>
      %mul3A_450 = arith.mulf %mul3A_449, %slice3A_447 : vector<256x64xf32>
      %tanh3A_451 = math.tanh %mul3A_450 : vector<256x64xf32>
      %mul3A_452 = arith.constant 5.000000e-01 : f32
      %mul3A_453 = vector.broadcast %mul3A_452 : f32 to vector<256x64xf32>
      %mul3A_454 = arith.mulf %mul3A_453, %tanh3A_451 : vector<256x64xf32>
      %add3A_455 = arith.constant 5.000000e-01 : f32
      %add3A_456 = vector.broadcast %add3A_455 : f32 to vector<256x64xf32>
      %add3A_457 = arith.addf %mul3A_454, %add3A_456 : vector<256x64xf32>
      %mul3A_458 = arith.mulf %add3A_457, %add3A_377 : vector<256x64xf32>
      %slice3A_459 = vector.extract_strided_slice %add3A_446 {offsets = [0, 0], sizes = [256, 64], strides = [1, 1]} : vector<256x256xf32> to vector<256x64xf32>
      %mul3A_460 = arith.constant 5.000000e-01 : f32
      %mul3A_461 = vector.broadcast %mul3A_460 : f32 to vector<256x64xf32>
      %mul3A_462 = arith.mulf %mul3A_461, %slice3A_459 : vector<256x64xf32>
      %tanh3A_463 = math.tanh %mul3A_462 : vector<256x64xf32>
      %mul3A_464 = arith.constant 5.000000e-01 : f32
      %mul3A_465 = vector.broadcast %mul3A_464 : f32 to vector<256x64xf32>
      %mul3A_466 = arith.mulf %mul3A_465, %tanh3A_463 : vector<256x64xf32>
      %add3A_467 = arith.constant 5.000000e-01 : f32
      %add3A_468 = vector.broadcast %add3A_467 : f32 to vector<256x64xf32>
      %add3A_469 = arith.addf %mul3A_466, %add3A_468 : vector<256x64xf32>
      %slice3A_470 = vector.extract_strided_slice %add3A_446 {offsets = [0, 128], sizes = [256, 64], strides = [1, 1]} : vector<256x256xf32> to vector<256x64xf32>
      %tanh3A_471 = math.tanh %slice3A_470 : vector<256x64xf32>
      %mul3A_472 = arith.mulf %add3A_469, %tanh3A_471 : vector<256x64xf32>
      %add3A_473 = arith.addf %mul3A_458, %mul3A_472 : vector<256x64xf32>
      %slice3A_474 = vector.extract_strided_slice %add3A_446 {offsets = [0, 192], sizes = [256, 64], strides = [1, 1]} : vector<256x256xf32> to vector<256x64xf32>
      %mul3A_475 = arith.constant 5.000000e-01 : f32
      %mul3A_476 = vector.broadcast %mul3A_475 : f32 to vector<256x64xf32>
      %mul3A_477 = arith.mulf %mul3A_476, %slice3A_474 : vector<256x64xf32>
      %tanh3A_478 = math.tanh %mul3A_477 : vector<256x64xf32>
      %mul3A_479 = arith.constant 5.000000e-01 : f32
      %mul3A_480 = vector.broadcast %mul3A_479 : f32 to vector<256x64xf32>
      %mul3A_481 = arith.mulf %mul3A_480, %tanh3A_478 : vector<256x64xf32>
      %add3A_482 = arith.constant 5.000000e-01 : f32
      %add3A_483 = vector.broadcast %add3A_482 : f32 to vector<256x64xf32>
      %add3A_484 = arith.addf %mul3A_481, %add3A_483 : vector<256x64xf32>
      %tanh3A_485 = math.tanh %add3A_473 : vector<256x64xf32>
      %mul3A_486 = arith.mulf %add3A_484, %tanh3A_485 : vector<256x64xf32>
      %get3A_487 = arith.constant 0 : index
      %get3A_488 = arith.constant 0 : index
      %get3A_489 = arith.constant 0 : index
      %get3A_490 = vector.load %arg8[%get3A_487, %get3A_488, %get3A_489] : memref<2x64x256xf32, #tpu.memory_space<vmem>>, vector<1x64x256xf32>
      %get3A_491 = vector.shape_cast %get3A_490 : vector<1x64x256xf32> to vector<64x256xf32>
      %dot_general3A_492 = arith.constant dense<0.000000e+00> : vector<256x256xf32>
      %dot_general3A_493 = tpu.matmul %mul3A_438, %get3A_491, %dot_general3A_492 {dimension_numbers = #tpu.dot_dimension_numbers<[1], [0], [0], [1], [0, 0, 1, 1], [], []>, transpose_lhs_hint = false} : vector<256x64xf32>, vector<64x256xf32>, vector<256x256xf32> -> vector<256x256xf32>
      %add3A_494 = arith.addf %add3A_153, %dot_general3A_493 : vector<256x256xf32>
      %slice3A_495 = vector.extract_strided_slice %add3A_494 {offsets = [0, 64], sizes = [256, 64], strides = [1, 1]} : vector<256x256xf32> to vector<256x64xf32>
      %mul3A_496 = arith.constant 5.000000e-01 : f32
      %mul3A_497 = vector.broadcast %mul3A_496 : f32 to vector<256x64xf32>
      %mul3A_498 = arith.mulf %mul3A_497, %slice3A_495 : vector<256x64xf32>
      %tanh3A_499 = math.tanh %mul3A_498 : vector<256x64xf32>
      %mul3A_500 = arith.constant 5.000000e-01 : f32
      %mul3A_501 = vector.broadcast %mul3A_500 : f32 to vector<256x64xf32>
      %mul3A_502 = arith.mulf %mul3A_501, %tanh3A_499 : vector<256x64xf32>
      %add3A_503 = arith.constant 5.000000e-01 : f32
      %add3A_504 = vector.broadcast %add3A_503 : f32 to vector<256x64xf32>
      %add3A_505 = arith.addf %mul3A_502, %add3A_504 : vector<256x64xf32>
      %mul3A_506 = arith.mulf %add3A_505, %add3A_425 : vector<256x64xf32>
      %slice3A_507 = vector.extract_strided_slice %add3A_494 {offsets = [0, 0], sizes = [256, 64], strides = [1, 1]} : vector<256x256xf32> to vector<256x64xf32>
      %mul3A_508 = arith.constant 5.000000e-01 : f32
      %mul3A_509 = vector.broadcast %mul3A_508 : f32 to vector<256x64xf32>
      %mul3A_510 = arith.mulf %mul3A_509, %slice3A_507 : vector<256x64xf32>
      %tanh3A_511 = math.tanh %mul3A_510 : vector<256x64xf32>
      %mul3A_512 = arith.constant 5.000000e-01 : f32
      %mul3A_513 = vector.broadcast %mul3A_512 : f32 to vector<256x64xf32>
      %mul3A_514 = arith.mulf %mul3A_513, %tanh3A_511 : vector<256x64xf32>
      %add3A_515 = arith.constant 5.000000e-01 : f32
      %add3A_516 = vector.broadcast %add3A_515 : f32 to vector<256x64xf32>
      %add3A_517 = arith.addf %mul3A_514, %add3A_516 : vector<256x64xf32>
      %slice3A_518 = vector.extract_strided_slice %add3A_494 {offsets = [0, 128], sizes = [256, 64], strides = [1, 1]} : vector<256x256xf32> to vector<256x64xf32>
      %tanh3A_519 = math.tanh %slice3A_518 : vector<256x64xf32>
      %mul3A_520 = arith.mulf %add3A_517, %tanh3A_519 : vector<256x64xf32>
      %add3A_521 = arith.addf %mul3A_506, %mul3A_520 : vector<256x64xf32>
      %slice3A_522 = vector.extract_strided_slice %add3A_494 {offsets = [0, 192], sizes = [256, 64], strides = [1, 1]} : vector<256x256xf32> to vector<256x64xf32>
      %mul3A_523 = arith.constant 5.000000e-01 : f32
      %mul3A_524 = vector.broadcast %mul3A_523 : f32 to vector<256x64xf32>
      %mul3A_525 = arith.mulf %mul3A_524, %slice3A_522 : vector<256x64xf32>
      %tanh3A_526 = math.tanh %mul3A_525 : vector<256x64xf32>
      %mul3A_527 = arith.constant 5.000000e-01 : f32
      %mul3A_528 = vector.broadcast %mul3A_527 : f32 to vector<256x64xf32>
      %mul3A_529 = arith.mulf %mul3A_528, %tanh3A_526 : vector<256x64xf32>
      %add3A_530 = arith.constant 5.000000e-01 : f32
      %add3A_531 = vector.broadcast %add3A_530 : f32 to vector<256x64xf32>
      %add3A_532 = arith.addf %mul3A_529, %add3A_531 : vector<256x64xf32>
      %tanh3A_533 = math.tanh %add3A_521 : vector<256x64xf32>
      %mul3A_534 = arith.mulf %add3A_532, %tanh3A_533 : vector<256x64xf32>
      %concatenate3A_535 = tpu.concatenate %mul3A_534, %mul3A_486 in 1 : vector<256x64xf32>, vector<256x64xf32> -> vector<256x128xf32>
      %dot_general3A_536 = arith.constant dense<0.000000e+00> : vector<256x256xf32>
      %dot_general3A_537 = tpu.matmul %concatenate3A_535, %concatenate3A, %dot_general3A_536 {dimension_numbers = #tpu.dot_dimension_numbers<[1], [0], [0], [1], [0, 0, 1, 1], [], []>, transpose_lhs_hint = false} : vector<256x128xf32>, vector<128x256xf32>, vector<256x256xf32> -> vector<256x256xf32>
      %get3A_538 = arith.constant 1 : index
      %get3A_539 = arith.constant 0 : index
      %get3A_540 = vector.load %arg9[%get3A_538, %get3A_539] : memref<2x256xf32, #tpu.memory_space<vmem>>, vector<1x256xf32>
      %add3A_541 = vector.broadcast %get3A_540 : vector<1x256xf32> to vector<256x256xf32>
      %add3A_542 = arith.addf %dot_general3A_537, %add3A_541 : vector<256x256xf32>
      %slice3A_543 = vector.extract_strided_slice %add3A_542 {offsets = [0, 64], sizes = [256, 64], strides = [1, 1]} : vector<256x256xf32> to vector<256x64xf32>
      %mul3A_544 = arith.constant 5.000000e-01 : f32
      %mul3A_545 = vector.broadcast %mul3A_544 : f32 to vector<256x64xf32>
      %mul3A_546 = arith.mulf %mul3A_545, %slice3A_543 : vector<256x64xf32>
      %tanh3A_547 = math.tanh %mul3A_546 : vector<256x64xf32>
      %mul3A_548 = arith.constant 5.000000e-01 : f32
      %mul3A_549 = vector.broadcast %mul3A_548 : f32 to vector<256x64xf32>
      %mul3A_550 = arith.mulf %mul3A_549, %tanh3A_547 : vector<256x64xf32>
      %add3A_551 = arith.constant 5.000000e-01 : f32
      %add3A_552 = vector.broadcast %add3A_551 : f32 to vector<256x64xf32>
      %add3A_553 = arith.addf %mul3A_550, %add3A_552 : vector<256x64xf32>
      %mul3A_554 = arith.mulf %add3A_553, %add3A_473 : vector<256x64xf32>
      %slice3A_555 = vector.extract_strided_slice %add3A_542 {offsets = [0, 0], sizes = [256, 64], strides = [1, 1]} : vector<256x256xf32> to vector<256x64xf32>
      %mul3A_556 = arith.constant 5.000000e-01 : f32
      %mul3A_557 = vector.broadcast %mul3A_556 : f32 to vector<256x64xf32>
      %mul3A_558 = arith.mulf %mul3A_557, %slice3A_555 : vector<256x64xf32>
      %tanh3A_559 = math.tanh %mul3A_558 : vector<256x64xf32>
      %mul3A_560 = arith.constant 5.000000e-01 : f32
      %mul3A_561 = vector.broadcast %mul3A_560 : f32 to vector<256x64xf32>
      %mul3A_562 = arith.mulf %mul3A_561, %tanh3A_559 : vector<256x64xf32>
      %add3A_563 = arith.constant 5.000000e-01 : f32
      %add3A_564 = vector.broadcast %add3A_563 : f32 to vector<256x64xf32>
      %add3A_565 = arith.addf %mul3A_562, %add3A_564 : vector<256x64xf32>
      %slice3A_566 = vector.extract_strided_slice %add3A_542 {offsets = [0, 128], sizes = [256, 64], strides = [1, 1]} : vector<256x256xf32> to vector<256x64xf32>
      %tanh3A_567 = math.tanh %slice3A_566 : vector<256x64xf32>
      %mul3A_568 = arith.mulf %add3A_565, %tanh3A_567 : vector<256x64xf32>
      %add3A_569 = arith.addf %mul3A_554, %mul3A_568 : vector<256x64xf32>
      %slice3A_570 = vector.extract_strided_slice %add3A_542 {offsets = [0, 192], sizes = [256, 64], strides = [1, 1]} : vector<256x256xf32> to vector<256x64xf32>
      %mul3A_571 = arith.constant 5.000000e-01 : f32
      %mul3A_572 = vector.broadcast %mul3A_571 : f32 to vector<256x64xf32>
      %mul3A_573 = arith.mulf %mul3A_572, %slice3A_570 : vector<256x64xf32>
      %tanh3A_574 = math.tanh %mul3A_573 : vector<256x64xf32>
      %mul3A_575 = arith.constant 5.000000e-01 : f32
      %mul3A_576 = vector.broadcast %mul3A_575 : f32 to vector<256x64xf32>
      %mul3A_577 = arith.mulf %mul3A_576, %tanh3A_574 : vector<256x64xf32>
      %add3A_578 = arith.constant 5.000000e-01 : f32
      %add3A_579 = vector.broadcast %add3A_578 : f32 to vector<256x64xf32>
      %add3A_580 = arith.addf %mul3A_577, %add3A_579 : vector<256x64xf32>
      %tanh3A_581 = math.tanh %add3A_569 : vector<256x64xf32>
      %mul3A_582 = arith.mulf %add3A_580, %tanh3A_581 : vector<256x64xf32>
      %concatenate3A_583 = tpu.concatenate %add3A_521, %mul3A_534, %add3A_569, %mul3A_582 in 1 : vector<256x64xf32>, vector<256x64xf32>, vector<256x64xf32>, vector<256x64xf32> -> vector<256x256xf32>
      %broadcast_in_dim3A_584 = vector.shape_cast %eq3A_100 : vector<256x1xi1> to vector<256x1xi1>
      %broadcast_in_dim3A_585 = vector.broadcast %broadcast_in_dim3A_584 : vector<256x1xi1> to vector<256x256xi1>
      %select_n3A_586 = arith.select %broadcast_in_dim3A_585, %while3A_195, %concatenate3A_583 : vector<256x256xi1>, vector<256x256xf32>
      %get3A_587 = arith.constant 0 : index
      %get3A_588 = arith.constant 0 : index
      %get3A_589 = vector.load %arg10[%get3A_587, %get3A_588] : memref<256x1xf32, #tpu.memory_space<vmem>>, vector<256x1xf32>
      %dot_general3A_590 = arith.constant dense<0.000000e+00> : vector<256x1xf32>
      %dot_general3A_591 = tpu.matmul %select_n3A_586, %get3A_589, %dot_general3A_590 {dimension_numbers = #tpu.dot_dimension_numbers<[1], [0], [0], [1], [0, 0, 1, 1], [], []>, transpose_lhs_hint = false} : vector<256x256xf32>, vector<256x1xf32>, vector<256x1xf32> -> vector<256x1xf32>
      %get3A_592 = arith.constant 0 : index
      %get3A_593 = arith.constant 0 : index
      %get3A_594 = vector.load %arg11[%get3A_592, %get3A_593] : memref<1x1xf32, #tpu.memory_space<vmem>>, vector<1x1xf32>
      %add3A_595 = vector.broadcast %get3A_594 : vector<1x1xf32> to vector<256x1xf32>
      %add3A_596 = arith.addf %dot_general3A_591, %add3A_595 : vector<256x1xf32>
      %mul3A_597 = arith.constant 5.000000e-01 : f32
      %mul3A_598 = vector.broadcast %mul3A_597 : f32 to vector<256x1xf32>
      %mul3A_599 = arith.mulf %mul3A_598, %add3A_596 : vector<256x1xf32>
      %tanh3A_600 = math.tanh %mul3A_599 : vector<256x1xf32>
      %mul3A_601 = arith.constant 5.000000e-01 : f32
      %mul3A_602 = vector.broadcast %mul3A_601 : f32 to vector<256x1xf32>
      %mul3A_603 = arith.mulf %mul3A_602, %tanh3A_600 : vector<256x1xf32>
      %add3A_604 = arith.constant 5.000000e-01 : f32
      %add3A_605 = vector.broadcast %add3A_604 : f32 to vector<256x1xf32>
      %add3A_606 = arith.addf %mul3A_603, %add3A_605 : vector<256x1xf32>
      %sub3A = arith.constant 1.000000e+00 : f32
      %sub3A_607 = vector.broadcast %sub3A : f32 to vector<256x1xf32>
      %sub3A_608 = arith.subf %sub3A_607, %add3A_606 : vector<256x1xf32>
      %mul3A_609 = vector.broadcast %add3A_606 : vector<256x1xf32> to vector<256x256xf32>
      %mul3A_610 = arith.mulf %mul3A_609, %convert_element_type3A_94 : vector<256x256xf32>
      %mul3A_611 = vector.broadcast %sub3A_608 : vector<256x1xf32> to vector<256x256xf32>
      %mul3A_612 = arith.mulf %mul3A_611, %convert_element_type3A_98 : vector<256x256xf32>
      %add3A_613 = arith.addf %mul3A_610, %mul3A_612 : vector<256x256xf32>
      %mul3A_614 = vector.broadcast %while3A_196 : vector<256x1xf32> to vector<256x256xf32>
      %mul3A_615 = arith.mulf %select_n3A_586, %mul3A_614 : vector<256x256xf32>
      %dot_general3A_616 = arith.constant dense<0.000000e+00> : vector<256x256xf32>
      %dot_general3A_617 = tpu.matmul %add3A_613, %mul3A_615, %dot_general3A_616 {dimension_numbers = #tpu.dot_dimension_numbers<[0], [0], [1], [1], [0, 1, 1, 1], [], []>, transpose_lhs_hint = false} : vector<256x256xf32>, vector<256x256xf32>, vector<256x256xf32> -> vector<256x256xf32>
      %dot_general3A_618 = arith.constant dense<0.000000e+00> : vector<256x1xf32>
      %dot_general3A_619 = tpu.matmul %add3A_613, %while3A_196, %dot_general3A_618 {dimension_numbers = #tpu.dot_dimension_numbers<[0], [0], [1], [1], [0, 1, 1, 1], [], []>, transpose_lhs_hint = false} : vector<256x256xf32>, vector<256x1xf32>, vector<256x1xf32> -> vector<256x1xf32>
      %add3A_620 = arith.constant 1.000000e-07 : f32
      %add3A_621 = vector.broadcast %add3A_620 : f32 to vector<256x1xf32>
      %add3A_622 = arith.addf %dot_general3A_619, %add3A_621 : vector<256x1xf32>
      %div3A = vector.broadcast %add3A_622 : vector<256x1xf32> to vector<256x256xf32>
      %div3A_623 = arith.divf %dot_general3A_617, %div3A : vector<256x256xf32>
      scf.yield %div3A_623, %dot_general3A_619 : vector<256x256xf32>, vector<256x1xf32>
    }
    %jit3A = arith.constant 0.000000e+00 : f32
    %broadcast_in_dim3A_174 = vector.shape_cast %eq3A_100 : vector<256x1xi1> to vector<256x1xi1>
    %broadcast_in_dim3A_175 = vector.broadcast %broadcast_in_dim3A_174 : vector<256x1xi1> to vector<256x256xi1>
    %broadcast_in_dim3A_176 = vector.broadcast %jit3A : f32 to vector<256x256xf32>
    %select_n3A_177 = arith.select %broadcast_in_dim3A_175, %while3A_173#0, %broadcast_in_dim3A_176 : vector<256x256xi1>, vector<256x256xf32>
    %reduce_sum3A = arith.constant dense<0.000000e+00> : vector<256xf32>
    %reduce_sum3A_178 = vector.multi_reduction <add>, %select_n3A_177, %reduce_sum3A [0] : vector<256x256xf32> to vector<256xf32>
    %broadcast_in_dim3A_179 = vector.shape_cast %reduce_sum3A_178 : vector<256xf32> to vector<1x256xf32>
    %get3A_180 = arith.constant 0 : index
    %get3A_181 = arith.constant 0 : index
    %get3A_182 = vector.load %arg12[%get3A_180, %get3A_181] : memref<256x1000xf32, #tpu.memory_space<vmem>>, vector<256x1000xf32>
    %dot_general3A_183 = arith.constant dense<0.000000e+00> : vector<1x1000xf32>
    %dot_general3A_184 = tpu.matmul %broadcast_in_dim3A_179, %get3A_182, %dot_general3A_183 {dimension_numbers = #tpu.dot_dimension_numbers<[1], [0], [0], [1], [0, 0, 1, 1], [], []>, transpose_lhs_hint = false} : vector<1x256xf32>, vector<256x1000xf32>, vector<1x1000xf32> -> vector<1x1000xf32>
    %get3A_185 = arith.constant 0 : index
    %get3A_186 = arith.constant 0 : index
    %get3A_187 = vector.load %arg13[%get3A_185, %get3A_186] : memref<1x1000xf32, #tpu.memory_space<vmem>>, vector<1x1000xf32>
    %add3A_188 = arith.addf %dot_general3A_184, %get3A_187 : vector<1x1000xf32>
    %swap3A = arith.constant 0 : index
    %swap3A_189 = arith.constant 0 : index
    %swap3A_190 = arith.constant 0 : index
    %swap3A_191 = vector.load %arg14[%swap3A, %swap3A_189, %swap3A_190] : memref<1x1x1000xf32, #tpu.memory_space<vmem>>, vector<1x1x1000xf32>
    %swap3A_192 = vector.shape_cast %swap3A_191 : vector<1x1x1000xf32> to vector<1x1000xf32>
    %swap3A_193 = vector.shape_cast %add3A_188 : vector<1x1000xf32> to vector<1x1x1000xf32>
    tpu.vector_store %arg14[%swap3A, %swap3A_189, %swap3A_190], %swap3A_193 {strides = array<i32>} : memref<1x1x1000xf32, #tpu.memory_space<vmem>>, vector<1x1x1000xf32>,
    return
  }
  func.func @transform_0(%arg0: i32, %arg1: memref<8x1xi32, #tpu.memory_space<smem>>, %arg2: memref<8x1xi32, #tpu.memory_space<smem>>) -> (i32, i32, i32, i32) {
    %c0_i32 = arith.constant 0 : i32
    %c0_i32_0 = arith.constant 0 : i32
    %c0_i32_1 = arith.constant 0 : i32
    %c0_i32_2 = arith.constant 0 : i32
    return %arg0, %c0_i32, %c0_i32_0, %c0_i32_1 : i32, i32, i32, i32
  }
  func.func @transform_1(%arg0: i32, %arg1: memref<8x1xi32, #tpu.memory_space<smem>>, %arg2: memref<8x1xi32, #tpu.memory_space<smem>>) -> (i32, i32, i32, i32) {
    %c0_i32 = arith.constant 0 : i32
    %c0_i32_0 = arith.constant 0 : i32
    %c0_i32_1 = arith.constant 0 : i32
    %c0_i32_2 = arith.constant 0 : i32
    return %arg0, %c0_i32, %c0_i32_0, %c0_i32_1 : i32, i32, i32, i32
  }
  func.func @transform_2(%arg0: i32, %arg1: memref<8x1xi32, #tpu.memory_space<smem>>, %arg2: memref<8x1xi32, #tpu.memory_space<smem>>) -> (i32, i32, i32) {
    %c0_i32 = arith.constant 0 : i32
    %c0_i32_0 = arith.constant 0 : i32
    %c0_i32_1 = arith.constant 0 : i32
    return %arg0, %c0_i32, %c0_i32_0 : i32, i32, i32
  }
  func.func @transform_3(%arg0: i32, %arg1: memref<8x1xi32, #tpu.memory_space<smem>>, %arg2: memref<8x1xi32, #tpu.memory_space<smem>>) -> (i32, i32, i32) {
    %c0_i32 = arith.constant 0 : i32
    %c0_i32_0 = arith.constant 0 : i32
    %c0_i32_1 = arith.constant 0 : i32
    return %arg0, %c0_i32, %c0_i32_0 : i32, i32, i32
  }
  func.func @transform_4(%arg0: i32, %arg1: memref<8x1xi32, #tpu.memory_space<smem>>, %arg2: memref<8x1xi32, #tpu.memory_space<smem>>) -> (i32, i32, i32) {
    %c0_i32 = arith.constant 0 : i32
    %c0_i32_0 = arith.constant 0 : i32
    %c0_i32_1 = arith.constant 0 : i32
    %c0_i32_2 = arith.constant 0 : i32
    return %c0_i32, %c0_i32_0, %c0_i32_1 : i32, i32, i32
  }
  func.func @transform_5(%arg0: i32, %arg1: memref<8x1xi32, #tpu.memory_space<smem>>, %arg2: memref<8x1xi32, #tpu.memory_space<smem>>) -> (i32, i32, i32) {
    %c0_i32 = arith.constant 0 : i32
    %c0_i32_0 = arith.constant 0 : i32
    %c0_i32_1 = arith.constant 0 : i32
    %c0_i32_2 = arith.constant 0 : i32
    return %c0_i32, %c0_i32_0, %c0_i32_1 : i32, i32, i32
  }
  func.func @transform_6(%arg0: i32, %arg1: memref<8x1xi32, #tpu.memory_space<smem>>, %arg2: memref<8x1xi32, #tpu.memory_space<smem>>) -> (i32, i32) {
    %c0_i32 = arith.constant 0 : i32
    %c0_i32_0 = arith.constant 0 : i32
    %c0_i32_1 = arith.constant 0 : i32
    return %c0_i32, %c0_i32_0 : i32, i32
  }
  func.func @transform_7(%arg0: i32, %arg1: memref<8x1xi32, #tpu.memory_space<smem>>, %arg2: memref<8x1xi32, #tpu.memory_space<smem>>) -> (i32, i32) {
    %c0_i32 = arith.constant 0 : i32
    %c0_i32_0 = arith.constant 0 : i32
    %c0_i32_1 = arith.constant 0 : i32
    return %c0_i32, %c0_i32_0 : i32, i32
  }
  func.func @transform_8(%arg0: i32, %arg1: memref<8x1xi32, #tpu.memory_space<smem>>, %arg2: memref<8x1xi32, #tpu.memory_space<smem>>) -> (i32, i32) {
    %c0_i32 = arith.constant 0 : i32
    %c0_i32_0 = arith.constant 0 : i32
    %c0_i32_1 = arith.constant 0 : i32
    return %c0_i32, %c0_i32_0 : i32, i32
  }
  func.func @transform_9(%arg0: i32, %arg1: memref<8x1xi32, #tpu.memory_space<smem>>, %arg2: memref<8x1xi32, #tpu.memory_space<smem>>) -> (i32, i32) {
    %c0_i32 = arith.constant 0 : i32
    %c0_i32_0 = arith.constant 0 : i32
    %c0_i32_1 = arith.constant 0 : i32
    return %c0_i32, %c0_i32_0 : i32, i32
  }
  func.func @transform_10(%arg0: i32, %arg1: memref<8x1xi32, #tpu.memory_space<smem>>, %arg2: memref<8x1xi32, #tpu.memory_space<smem>>) -> (i32, i32) {
    %c0_i32 = arith.constant 0 : i32
    %c0_i32_0 = arith.constant 0 : i32
    %c0_i32_1 = arith.constant 0 : i32
    return %c0_i32, %c0_i32_0 : i32, i32
  }
  func.func @transform_11(%arg0: i32, %arg1: memref<8x1xi32, #tpu.memory_space<smem>>, %arg2: memref<8x1xi32, #tpu.memory_space<smem>>) -> (i32, i32, i32) {
    %c0_i32 = arith.constant 0 : i32
    %c0_i32_0 = arith.constant 0 : i32
    %c0_i32_1 = arith.constant 0 : i32
    return %arg0, %c0_i32, %c0_i32_0 : i32, i32, i32
  }
}

</mosaic_0001>

<sc_bundles>
// kernel: kernel.4.cloned.1.call-start
scs
__scs_entry_jumppad:
0x0: {  	(pc) =	sbr.rel $0x88, $3  }
0x1: {  	(tag) =	ssettag $0x0;
	lr =	simm.s32 $0x1  }
0x2: {  	[smem:$0x3F94] =	sst lr;
	_ =	strace $0xD0000000  }
0x3: {  	_ = 	snop  }
0x4: {  	_ = 	snop  }
0x5: {  	_ = 	snop  }
0x6: {  	_ = 	snop  }
0x7: {  	_ = 	snop  }
__scs_overlays_trampoline_lowered:
0x8: {  	[smem:$0x3FA3] =	sst s0  }
0x9: {  	[smem:$0x3FA4] =	sst s1  }
0xa: {  	[smem:$0x3FA5] =	sst s2  }
0xb: {  	[smem:$0x3FA6] =	sst s3  }
0xc: {  	[smem:$0x3FA7] =	sst s4  }
0xd: {  	[smem:$0x3FA8] =	sst s5  }
0xe: {  	[smem:$0x3FA9] =	sst s6  }
0xf: {  	[smem:$0x3FAA] =	sst s7  }
0x10: {  	[smem:$0x3FAB] =	sst s8  }
0x11: {  	[smem:$0x3FAC] =	sst s9;
	s0 =	simm.s32 @!p0 $0x0  }
0x12: {  	s1 =	sld [smem:$0x3F92];
	s0 =	simm.s32 @p0 $0x1  }
0x13: {  	[smem:$0x3FAD] =	sst s0;
	s0 =	simm.s32 @!p1 $0x0  }
0x14: {  	s2 =	sld [smem:$0x3F91];
	s0 =	simm.s32 @p1 $0x1  }
0x15: {  	[smem:$0x3FAE] =	sst s0;
	s0 =	simm.s32 @!p2 $0x0  }
0x16: {  	s3 =	sld [smem:$0x3FDB];
	s0 =	simm.s32 @p2 $0x1  }
0x17: {  	s4 =	simm.s32 $0x1BF5;
	[smem:$0x3FB0] =	sst s0  }
0x18: {  	s0 =	sld [smem:$0x3F93];
	_ =	swait.ge [sflag:s4], $0x0  }
0x19: {  	s7 =	sld [smem:$0x3F94]  }
0x1a: {  	s8 =	sadd.s32 $0xFFFFE003, lr  }
0x1b: {  	s9 =	sadd.s32 $0xFFFFFEF7, lr;
	s5 =	simm.s32 $0xFFFFFFFF;
	p2 =	slt.u32 s8, $0xFFFFF086  }
0x1c: {  	p1 =	slt.u32 s9, $0xF7A;
	s5 =	simm.s32 @!p2 $0x0  }
0x1d: {  	s5 =	simm.s32 @p1 $0x1;
	p0 =	seq.s32 s7, s2  }
0x1e: {  	s7 =	smul.u32 @!p0 $0xF7A, s2;
	p2 =	seq.s32 @!p0 s5, $0x0  }
0x1f: {  	s9 =	smul.u32 $0xF7A, s1;
	s8 =	simm.s32 @!p0 $0x1BF5;
	p2 =	por !p2, p0  }
0x20: {  	[sflag:s8] =	ssyncset.s32 @!p0 $0xFFFFF086;
	s6 =	sadd.s32 @!p0 s3, s7;
	s7 =	simm.s32 @!p0 $0x108  }
0x21: {  	s3 =	sadd.s32 s3, s9;
	s6 =	sadd.s32 @!p0 $0x88, s6;
	s7 =	simm.s32 @p2 $0x1082  }
0x22: {  	[simem:s7], [sflag:s8] =	dma.local @!p0 [hbm:s6], $0xF7A  }
0x23: {  	s9 =	sor.u32 $0xD0000000, s2;
	s6 =	simm.s32 $0x108;
	_ =	swait.ge @!p0 [sflag:s8], $0x0  }
0x24: {  	s3 =	sadd.s32 $0x88, s3;
	s6 =	simm.s32 @!p1 $0x1082;
	[sflag:s4] =	ssyncset.s32 $0xFFFFF086  }
0x25: {  	[simem:s6], [sflag:s4] =	dma.local [hbm:s3], $0xF7A  }
0x26: {  	[smem:$0x3F94] =	sst s1;
	(tag) =	ssettag s2;
	_ =	strace s9  }
0x27: {  	s1 =	sld [smem:$0x3FA4]  }
0x28: {  	s2 =	sld [smem:$0x3FA5]  }
0x29: {  	s4 =	sld [smem:$0x3FA7]  }
0x2a: {  	p0 =	seq.s32 s5, $0x0;
	s5 =	sld [smem:$0x3FA8]  }
0x2b: {  	s6 =	sld [smem:$0x3FA9]  }
0x2c: {  	s7 =	sld [smem:$0x3FAA]  }
0x2d: {  	s3 =	simm.s32 $0x108;
	s8 =	sld [smem:$0x3FAB]  }
0x2e: {  	s3 =	simm.s32 @!p0 $0x1082;
	s9 =	sld [smem:$0x3FAC]  }
0x2f: {  	lr =	sadd.s32 s0, s3;
	s0 =	sld [smem:$0x3FA3]  }
0x30: {  	s3 =	sld [smem:$0x3FA6]  }
0x31: {  	[smem:$0x3FAF] =	sst s10  }
0x32: {  	s10 =	sld [smem:$0x3FAD];
	_ =	sdelay $0x3  }
0x33: {  	p0 =	seq.s32 s10, $0x1;
	s10 =	sld [smem:$0x3FAF];
	_ =	sdelay $0x3  }
0x34: {  	[smem:$0x3FAF] =	sst s10  }
0x35: {  	s10 =	sld [smem:$0x3FAE];
	_ =	sdelay $0x3  }
0x36: {  	p1 =	seq.s32 s10, $0x1;
	s10 =	sld [smem:$0x3FAF];
	_ =	sdelay $0x3  }
0x37: {  	[smem:$0x3FAF] =	sst s10  }
0x38: {  	s10 =	sld [smem:$0x3FB0]  }
0x39: {  	_ = 	snop;
	(pc) =	sbr.ind lr, $3  }
0x3a: {  	_ = 	snop  }
0x3b: {  	_ = 	snop  }
0x3c: {  	p2 =	seq.s32 s10, $0x1;
	s10 =	sld [smem:$0x3FAF]  }
0x3d: {  	_ =	shalt  }
0x3e: {  	_ =	shalt  }
0x3f: {  	_ =	shalt  }
0x40: {  	_ =	shalt  }
0x41: {  	_ =	shalt  }
0x42: {  	_ =	shalt  }
0x43: {  	_ =	shalt  }
0x44: {  	_ =	shalt  }
0x45: {  	_ =	shalt  }
0x46: {  	_ =	shalt  }
0x47: {  	_ =	shalt  }
0x48: {  	_ =	shalt  }
0x49: {  	_ =	shalt  }
0x4a: {  	_ =	shalt  }
0x4b: {  	_ =	shalt  }
0x4c: {  	_ =	shalt  }
0x4d: {  	_ =	shalt  }
0x4e: {  	_ =	shalt  }
0x4f: {  	_ =	shalt  }
0x50: {  	_ =	shalt  }
0x51: {  	_ =	shalt  }
0x52: {  	_ =	shalt  }
0x53: {  	_ =	shalt  }
0x54: {  	_ =	shalt  }
0x55: {  	_ =	shalt  }
0x56: {  	_ =	shalt  }
0x57: {  	_ =	shalt  }
0x58: {  	_ =	shalt  }
0x59: {  	_ =	shalt  }
0x5a: {  	_ =	shalt  }
0x5b: {  	_ =	shalt  }
0x5c: {  	_ =	shalt  }
0x5d: {  	_ =	shalt  }
0x5e: {  	_ =	shalt  }
0x5f: {  	_ =	shalt  }
0x60: {  	_ =	shalt  }
0x61: {  	_ =	shalt  }
0x62: {  	_ =	shalt  }
0x63: {  	_ =	shalt  }
0x64: {  	_ =	shalt  }
0x65: {  	_ =	shalt  }
0x66: {  	_ =	shalt  }
0x67: {  	_ =	shalt  }
0x68: {  	_ =	shalt  }
0x69: {  	_ =	shalt  }
0x6a: {  	_ =	shalt  }
0x6b: {  	_ =	shalt  }
0x6c: {  	_ =	shalt  }
0x6d: {  	_ =	shalt  }
0x6e: {  	_ =	shalt  }
0x6f: {  	_ =	shalt  }
0x70: {  	_ =	shalt  }
0x71: {  	_ =	shalt  }
0x72: {  	_ =	shalt  }
0x73: {  	_ =	shalt  }
0x74: {  	_ =	shalt  }
0x75: {  	_ =	shalt  }
0x76: {  	_ =	shalt  }
0x77: {  	_ =	shalt  }
0x78: {  	_ =	shalt  }
0x79: {  	_ =	shalt  }
0x7a: {  	_ =	shalt  }
0x7b: {  	_ =	shalt  }
0x7c: {  	_ =	shalt  }
0x7d: {  	_ =	shalt  }
0x7e: {  	_ =	shalt  }
0x7f: {  	_ =	shalt  }
0x80: {  	_ =	shalt  }
0x81: {  	_ =	shalt  }
0x82: {  	_ =	shalt  }
0x83: {  	_ =	shalt  }
0x84: {  	_ =	shalt  }
0x85: {  	_ =	shalt  }
0x86: {  	_ =	shalt  }
0x87: {  	_ =	shalt  }
.Lfunc_end0:
.L_simem_size_0:
called_computation_lowered:
.L_overlay_start_0:
0x88: {  	s2 =	sld [smem:$0x3FD9]  }
0x89: {  	s3 =	sld [smem:$0x3FFE];
	_ =	sdelay $0x1  }
0x8a: {  	s1 =	srdreg.scid  }
0x8b: {  	s0 =	sand.u32 $0x1, s1  }
0x8c: {  	s17 =	sshll.u32 s0, $0xA;
	s2 =	sadd.s32 s3, s2  }
0x8d: {  	s2 =	sadd.s32 s2, s17  }
0x8e: {  	[smem:$0x3FBB] =	sst s2  }
0x8f: {  	_ = 	snop  }
0x90: {  	s2 =	sld [smem:$0x3FD0];
	(tm) =	ssettm $0x1  }
0x91: {  	s18 =	sld [smem:$0x3FFB];
	_ =	sdelay $0x3  }
0x92: {  	_ =	strace s18  }
0x93: {  	s3 =	sld [smem:$0x3FFC];
	_ =	sdelay $0x3  }
0x94: {  	_ =	strace s3  }
0x95: {  	s3 =	sld [smem:$0x3FFD];
	_ =	sdelay $0x3  }
0x96: {  	_ =	strace s3  }
0x97: {  	_ =	strace $0x8FFFFFFF  }
0x98: {  	s19 =	sld [smem:$0x3FDB];
	_ =	sdelay $0x1  }
0x99: {  	s4 =	simm.s32 $_scs_section_size  }
0x9a: {  	s5 =	simm.s32 $_size__tile_overlayer_lowered;
	s6 =	simm.s32 $_tile_overlayer_lowered  }
0x9b: {  	s22 =	simm.s32 $0x1BFF;
	s21 =	sshll.u32 s6, $0x1;
	s3 =	sadd.s32 s4, s19  }
0x9c: {  	s7 =	simm.s32 $0x0;
	s20 =	sshll.u32 s5, $0x1;
	s5 =	sadd.s32 s21, s3  }
0x9d: {  	[timem:s7], [sflag:s22] =	dma.local [hbm:s5], s20  }
0x9e: {  	_ =	swait.ge [sflag:s22], s20  }
0x9f: {  	s4 =	ssub.s32 $0x0, s20;
	[sflag:s22] =	ssyncset.done $0x0  }
0xa0: {  	[sflag:s22] =	ssyncadd.s32 s4;
	_ =	sdelay $0x1  }
0xa1: {  	s23 =	simm.s32 $0x1B8B  }
0xa2: {  	_ =	swait.ge [sflag:s23], $0x1  }
0xa3: {  	[sflag:s23] =	ssyncset.done $0x0  }
0xa4: {  	s25 =	simm.s32 $0x1B8E;
	s24 =	sld [smem:$0x3FFE];
	[sflag:s23] =	ssyncadd.s32 $0xFFFFFFFF  }
0xa5: {  	s26 =	simm.s32 $execute0_lowered;
	[smem:$0x3FD2] =	sst s25  }
0xa6: {  	s5 =	sshll.u32 s26, $0x1;
	_ =	strace $0x80000046;
	[dreg:$0x1] =	wrdreg $0xFFFFFFFF  }
0xa7: {  	s28 =	simm.s32 $_size_execute0_lowered;
	s3 =	sadd.s32 s3, s5;
	[dreg:$0x0] =	wrdreg $0x0  }
0xa8: {  	s5 =	sshll.u32 s28, $0x1;
	[dreg:$0x2] =	wrdreg s3  }
0xa9: {  	[dreg:$0x3] =	wrdreg s5  }
0xaa: {  	[dreg:$0x4] =	wrdreg $0xC0  }
0xab: {  	_ =	task [dreg:s7], $0x5FFFF  }
0xac: {  	[dreg:$0x1] =	wrdreg $0xFFFFFFFF  }
0xad: {  	[dreg:$0x0] =	wrdreg $0x60  }
0xae: {  	[dreg:$0x2] =	wrdreg s24  }
0xaf: {  	[dreg:$0x3] =	wrdreg s2  }
0xb0: {  	[dreg:$0x4] =	wrdreg $0x9  }
0xb1: {  	_ =	task.clear_ibuf [dreg:s7], $0x5FFFF;
	_ =	strace $0x90000046  }
0xb2: {  	s29 =	simm.s32 $0x9;
	_ =	strace $0x80000048  }
0xb3: {  	_ =	swait.ge [sflag:s29], $0x1  }
0xb4: {  	[sflag:s29] =	ssyncadd.s32 $0xFFFFFFFF  }
0xb5: {  	_ =	strace $0x90000048  }
0xb6: {  	_ =	sfence  }
0xb7: {  	s30 =	sld [smem:$0x0];
	_ =	sdelay $0x2  }
0xb8: {  	s31 =	sshll.u32 s1, $0xD;
	s1 =	sshrl.u32 s1, $0x2  }
0xb9: {  	s3 =	sand.u32 $0x4000, s31;
	s1 =	sadd.s32 s1, s30  }
0xba: {  	s0 =	sor.u32 s3, s0;
	s1 =	sshll.u32 s1, $0x11  }
0xbb: {  	s0 =	sor.u32 s1, s0  }
0xbc: {  	s0 =	sadd.s32 $0x8F2B, s0  }
0xbd: {  	[sflag:s0] =	ssyncadd.remote.s32 $0x1  }
0xbe: {  	_ =	sfence.sel $0xFFFF  }
0xbf: {  	[dreg:$0x0] =	wrdreg $0xFFFFFFFF;
	(pc) =	sbr.abs _section_cstart, $3  }
0xc0: {  	[dreg:$0x1] =	wrdreg $0xFFFFFFFF  }
0xc1: {  	_ =	task.clear_ibuf [dreg:s7], $0x2FFFF;
	_ =	strace $0x9FFFFFFF  }
0xc2: {  	(tm) =	ssettm $0x7FFFFFFF  }
0xc3: {  	_ =	shalt  }
tec
execute0_lowered:
.L_overlay_start_1:
0x0: {  	(tag) =	ssettag $0x1  }
0x1: {  	s1 =	srdreg.scid  }
0x2: {  	s8 =	rddreg [dreg:$0x0];
	s0 =	stileid.u32  }
0x3: {  	s3 =	rddreg [dreg:$0x1];
	s2 =	simm.s32 $0x0;
	s6 =	sand.u32 $0x1, s1  }
0x4: {  	s4 =	sshll.u32 s0, $0x9;
	s1 =	rddreg [dreg:$0x2];
	s5 =	sshll.u32 s6, $0x8  }
0x5: {  	s7 =	simm.s32 $0x1;
	[smem:$0x7FF] =	sst s2;
	s9 =	sor.u32 s5, s4  }
0x6: {  	_ =	strace $0x80000047;
	s10 =	ssub.s32 $0x2, s6;
	s4 =	sshrl.u32 s9, $0x3  }
0x7: {  	s6 =	simm.s32 $0x100;
	s4 =	sadd.s32 s3, s4;
	s3 =	simm.s32 $0x2  }
0x8: {  	[tilespmem:s2], [sflag:$0x2] =	stream.linear.gather [hbm4b:s4+s2], $0x100, $0x38;
	[tilespmem:$0x8100] =	vst v63  }
0x9: {  	s5 =	sadd.s32 $0x188C00, s8;
	s11 =	sshrl.u32 s10, $0x1;
	_ =	swait.ge [sflag:s3], $0x100  }
0xa: {  	s9 =	sshll.u32 s9, $0x4;
	s31 =	ssub.s32 s10, s11;
	[sflag:s3] =	ssyncset.done $0x0  }
0xb: {  	s8 =	sadd.s32 s9, s8;
	s9 =	smax.u32 s31, $0x1;
	[sflag:s3] =	ssyncadd.s32 $0xFFFFFF00  }
0xc: {  	[tilespmem:s6], [sflag:$0x1] =	stream.indirect.gather [hbm4b:s5+s6], $0x80, s2, s6, $0xb8;
	[tilespmem:$0x8100] =	vst v63  }
0xd: {  	p0 =	sne.s32 s9, $0x1;
	_ =	swait.ge [sflag:s7], $0x8000  }
.Ltmp0:
0xe: {  	[sflag:s7] =	ssyncset.done $0x0;
	(pc) =	sbr.rel @!p0 .LBB2_2-.Ltmp0, $4  }
0xf: {  	s8 =	sadd.s32 $0x2200, s8;
	[sflag:s7] =	ssyncadd.s32 $0xFFFF8000  }
0x10: {  	[hbm4b:s8+s2] =	stream.linear.scatter [tilespmem:s6], [sflag:$0x2], $0x8000, $0x38;
	[tilespmem:$0x8100] =	vst v63  }
0x11: {  	_ =	swait.ge [sflag:s3], $0x8000  }
0x12: {  	s9 =	sadd.s32 $0xFFFFFFFF, s9;
	[sflag:s3] =	ssyncset.done $0x0  }
.LBB2_1:
0x13: {  	p0 =	sne.s32 s9, $0x1;
	s9 =	sadd.s32 $0xFFFFFFFF, s9;
	[sflag:s3] =	ssyncadd.s32 $0xFFFF8000  }
0x14: {  	[tilespmem:s2], [sflag:$0x2] =	stream.linear.gather [hbm4b:s4+s2], $0x100, $0x38;
	[tilespmem:$0x8100] =	vst v63  }
0x15: {  	_ =	swait.ge [sflag:s3], $0x100  }
0x16: {  	[sflag:s3] =	ssyncset.done $0x0  }
0x17: {  	[sflag:s3] =	ssyncadd.s32 $0xFFFFFF00  }
0x18: {  	[tilespmem:s6], [sflag:$0x1] =	stream.indirect.gather [hbm4b:s5+s6], $0x80, s2, s6, $0xb8;
	[tilespmem:$0x8100] =	vst v63  }
0x19: {  	_ =	swait.ge [sflag:s7], $0x8000  }
.Ltmp1:
0x1a: {  	[sflag:s7] =	ssyncset.done $0x0;
	(pc) =	sbr.rel @p0 .LBB2_1-.Ltmp1, $4  }
0x1b: {  	[sflag:s7] =	ssyncadd.s32 $0xFFFF8000  }
0x1c: {  	[hbm4b:s8+s2] =	stream.linear.scatter [tilespmem:s6], [sflag:$0x2], $0x8000, $0x38;
	[tilespmem:$0x8100] =	vst v63  }
0x1d: {  	_ =	swait.ge [sflag:s3], $0x8000  }
0x1e: {  	[sflag:s3] =	ssyncset.done $0x0  }
.LBB2_2:
0x1f: {  	[sflag:s3] =	ssyncadd.s32 $0xFFFF8000  }
0x20: {  	_ =	sfence.sel $0x180000  }
0x21: {  	[bflag:$0x0] =	sbarrier.arrive $0xFFFF  }
0x22: {  	p0 =	sne.s32 s0, $0x0;
	_ =	strace $0x90000047  }
0x23: {  	s0 =	sadd.s32 @!p0 $0x100000, s1;
	[bflag:$0x2] =	sbarrier.arrive $0xFFFF  }
0x24: {  	[sflag:s0] =	ssyncadd.tile.s32 @!p0 $0x1;
	_ =	shalt  }
.Lfunc_end2:
_tile_overlayer_lowered:
.L_overlay_start_2:
0x25: {  	(tag) =	ssettag $0x2  }
0x26: {  	s0 =	rddreg [dreg:$0x0];
	s2 =	stileid.u32  }
0x27: {  	s1 =	rddreg [dreg:$0x1];
	p0 =	sne.s32 s2, $0x0  }
0x28: {  	s3 =	rddreg [dreg:$0x2];
	[bflag:$0x3] =	sbarrier.arrive $0xFFFF;
	s2 =	simm.s32 @!p0 $0x1C02  }
0x29: {  	[timem:s3], [sflag:s2] =	dma.local @!p0 [hbm:s0], s1  }
0x2a: {  	s0 =	simm.s32 @!p0 $0x2  }
0x2b: {  	_ =	swait.ge @!p0 [sflag:s0], s1  }
0x2c: {  	s1 =	ssub.s32 @!p0 $0x0, s1;
	[sflag:s0] =	ssyncset.done @!p0 $0x0  }
0x2d: {  	[sflag:s0] =	ssyncadd.s32 @!p0 s1  }
0x2e: {  	[bflag:$0x3] =	sbarrier.arrive $0xFFFF  }
0x2f: {  	_ =	shalt  }

</sc_bundles>
